<compile_context>
chip_gen: v7x
topology: tpu7x:2x2x1
jax: 0.10.2.dev20260603
libtpu: 0.0.44.dev20260713+nightly
codegen_flags: <defaults>
</compile_context>

<pallas_src>
import functools

import jax
import jax.numpy as jnp
from jax import lax
from jax.experimental import pallas as pl
from jax.experimental.pallas import tpu as pltpu
from jax.experimental.pallas import tpu_sc as plsc

NN = 10000
NP = 10240
NE = 160000
EP = 163840
D = 256
DH = 128
NSUB = 16
NCORE = 2
K = 128
EPS = EP // NSUB
EPW = EP // (NSUB * NCORE)
STRIPE = NP // NSUB

_mesh = plsc.VectorSubcoreMesh(core_axis_name="c", subcore_axis_name="s")


NCHD = EPW // K
NCH = EPS // K


@functools.partial(
    pl.kernel,
    mesh=_mesh,
    out_type=jax.ShapeDtypeStruct((NCORE * NP,), jnp.float32),
    scratch_types=[
        pltpu.VMEM((NCHD, K), jnp.int32),
        pltpu.VMEM((K,), jnp.float32),
        pltpu.VMEM_SHARED((NP,), jnp.float32),
        pltpu.SemaphoreType.DMA,
    ],
)
def _degree_kernel(dst_hbm, zeros_hbm, ones_hbm, out_hbm, idx_v, ones_v, acc_sh, ssem):
    cid = lax.axis_index("c")
    sid = lax.axis_index("s")
    wid = cid * NSUB + sid
    pltpu.sync_copy(dst_hbm.at[wid], idx_v)
    pltpu.sync_copy(ones_hbm, ones_v)

    @pl.when(sid == 0)
    def _zero():
        pltpu.sync_copy(zeros_hbm, acc_sh)

    plsc.subcore_barrier()

    def fire(i, carry):
        pltpu.async_copy(ones_v, acc_sh.at[idx_v.at[i]], ssem, add=True)
        return carry

    def drain(i, carry):
        pltpu.make_async_copy(ones_v, acc_sh.at[idx_v.at[0]], ssem).wait()
        return carry

    lax.fori_loop(0, NCHD, fire, 0)
    lax.fori_loop(0, NCHD, drain, 0)
    plsc.subcore_barrier()
    pltpu.sync_copy(
        acc_sh.at[pl.ds(sid * STRIPE, STRIPE)],
        out_hbm.at[pl.ds(cid * NP + sid * STRIPE, STRIPE)],
    )


@functools.partial(
    pl.kernel,
    mesh=_mesh,
    out_type=jax.ShapeDtypeStruct((NCORE * NP, DH), jnp.float32),
    scratch_types=[
        pltpu.VMEM((K,), jnp.int32),
        pltpu.VMEM((K,), jnp.int32),
        pltpu.VMEM((NCH, K), jnp.int32),
        pltpu.VMEM((K, DH), jnp.float32),
        pltpu.VMEM((K, DH), jnp.float32),
        pltpu.VMEM_SHARED((NP, DH), jnp.float32),
        pltpu.SemaphoreType.DMA,
        pltpu.SemaphoreType.DMA,
        pltpu.SemaphoreType.DMA,
        pltpu.SemaphoreType.DMA,
        pltpu.SemaphoreType.DMA,
        pltpu.SemaphoreType.DMA,
    ],
)
def _segsum_kernel(y_hbm, srcs_hbm, dst_hbm, zrows_hbm, out_hbm,
                   src0, src1, dst_v, rows0, rows1,
                   acc_sh, isem0, isem1, gsem0, gsem1, ssem0, ssem1):
    cid = lax.axis_index("c")
    sid = lax.axis_index("s")
    wid = cid * NSUB + sid
    sbase = wid * EPS
    pltpu.async_copy(dst_hbm.at[sid], dst_v, isem0)
    pltpu.async_copy(zrows_hbm, acc_sh.at[pl.ds(sid * STRIPE, STRIPE), :], ssem0)
    pltpu.make_async_copy(dst_hbm.at[sid], dst_v, isem0).wait()
    pltpu.make_async_copy(zrows_hbm, acc_sh.at[pl.ds(sid * STRIPE, STRIPE), :],
                          ssem0).wait()
    plsc.subcore_barrier()
    bufs = ((src0, isem0, rows0, gsem0, ssem0),
            (src1, isem1, rows1, gsem1, ssem1))

    def start_idx(j, b):
        sv, isem = bufs[b][0], bufs[b][1]
        j = jnp.minimum(j, NCH - 1)
        pltpu.async_copy(srcs_hbm.at[pl.ds(sbase + j * K, K)], sv, isem)

    def wait_idx(b):
        sv, isem = bufs[b][0], bufs[b][1]
        pltpu.make_async_copy(srcs_hbm.at[pl.ds(sbase, K)], sv, isem).wait()

    def start_gather(b):
        sv, rv, gsem = bufs[b][0], bufs[b][2], bufs[b][3]
        pltpu.async_copy(y_hbm.at[sv], rv, gsem)

    def wait_gather(b):
        sv, rv, gsem = bufs[b][0], bufs[b][2], bufs[b][3]
        pltpu.make_async_copy(y_hbm.at[sv], rv, gsem).wait()

    def start_scatter(i, b):
        rv, ssem = bufs[b][2], bufs[b][4]
        pltpu.async_copy(rv, acc_sh.at[dst_v.at[i]], ssem, add=True)

    def wait_scatter(b):
        rv, ssem = bufs[b][2], bufs[b][4]
        pltpu.make_async_copy(rv, acc_sh.at[dst_v.at[0]], ssem).wait()

    start_idx(0, 0)
    start_idx(1, 1)
    wait_idx(0)
    start_gather(0)
    wait_gather(0)
    start_scatter(0, 0)
    start_idx(2, 0)
    wait_idx(1)
    start_gather(1)

    def step(i, b):
        nb = 1 - b
        wait_gather(b)
        start_scatter(i, b)
        start_idx(i + 2, b)
        wait_scatter(nb)
        wait_idx(nb)
        start_gather(nb)

    def pair(g, carry):
        step(2 * g + 1, 1)
        step(2 * g + 2, 0)
        return carry

    lax.fori_loop(0, (NCH - 2) // 2, pair, 0)
    wait_gather(1)
    start_scatter(NCH - 1, 1)
    wait_scatter(0)
    wait_scatter(1)
    wait_idx(0)
    plsc.subcore_barrier()
    pltpu.sync_copy(
        acc_sh.at[pl.ds(sid * STRIPE, STRIPE), :],
        out_hbm.at[pl.ds(cid * NP + sid * STRIPE, STRIPE), :],
    )


_RB = 1000
_NG = NN // _RB


def _mm_scale_body(x_ref, w_ref, p0_ref, p1_ref, y_ref):
    dinv = lax.rsqrt(p0_ref[...] + p1_ref[...] + 1.0)
    y = jnp.dot(x_ref[...], w_ref[...], preferred_element_type=jnp.float32)
    y = y * dinv
    y_ref[0] = y[:, :DH]
    y_ref[1] = y[:, DH:]


def _mm_scale(xp, w, p0, p1):
    return pl.pallas_call(
        _mm_scale_body,
        grid=(_NG,),
        in_specs=[
            pl.BlockSpec((_RB, D), lambda i: (i, 0)),
            pl.BlockSpec((D, D), lambda i: (0, 0)),
            pl.BlockSpec((_RB, 1), lambda i: (i, 0)),
            pl.BlockSpec((_RB, 1), lambda i: (i, 0)),
        ],
        out_specs=pl.BlockSpec((2, _RB, DH), lambda i: (0, i, 0)),
        out_shape=jax.ShapeDtypeStruct((2, NP, DH), jnp.float32),
    )(xp, w, p0, p1)


def _combine_mm_body(s_ref, y_ref, p0_ref, p1_ref, b_ref, w_ref, o_ref):
    dinv = lax.rsqrt(p0_ref[...] + p1_ref[...] + 1.0)
    b = b_ref[...]
    h0 = jnp.maximum((s_ref[0] + y_ref[0]) * dinv + b[:, :DH], 0.0)
    h1 = jnp.maximum((s_ref[1] + y_ref[1]) * dinv + b[:, DH:], 0.0)
    y2 = jnp.dot(h0, w_ref[:DH, :], preferred_element_type=jnp.float32)
    y2 = y2 + jnp.dot(h1, w_ref[DH:, :], preferred_element_type=jnp.float32)
    y2 = y2 * dinv
    o_ref[0] = y2[:, :DH]
    o_ref[1] = y2[:, DH:]


def _combine_mm(s, y, p0, p1, b, w):
    return pl.pallas_call(
        _combine_mm_body,
        grid=(_NG,),
        in_specs=[
            pl.BlockSpec((2, _RB, DH), lambda i: (0, i, 0)),
            pl.BlockSpec((2, _RB, DH), lambda i: (0, i, 0)),
            pl.BlockSpec((_RB, 1), lambda i: (i, 0)),
            pl.BlockSpec((_RB, 1), lambda i: (i, 0)),
            pl.BlockSpec((1, D), lambda i: (0, 0)),
            pl.BlockSpec((D, D), lambda i: (0, 0)),
        ],
        out_specs=pl.BlockSpec((2, _RB, DH), lambda i: (0, i, 0)),
        out_shape=jax.ShapeDtypeStruct((2, NP, DH), jnp.float32),
    )(s, y, p0, p1, b, w)


def _final_body(s_ref, y_ref, p0_ref, p1_ref, b_ref, o_ref):
    dinv = lax.rsqrt(p0_ref[...] + p1_ref[...] + 1.0)
    b = b_ref[...]
    o_ref[:, :DH] = (s_ref[0] + y_ref[0]) * dinv + b[:, :DH]
    o_ref[:, DH:] = (s_ref[1] + y_ref[1]) * dinv + b[:, DH:]


def _final(s, y, p0, p1, b):
    return pl.pallas_call(
        _final_body,
        grid=(_NG,),
        in_specs=[
            pl.BlockSpec((2, _RB, DH), lambda i: (0, i, 0)),
            pl.BlockSpec((2, _RB, DH), lambda i: (0, i, 0)),
            pl.BlockSpec((_RB, 1), lambda i: (i, 0)),
            pl.BlockSpec((_RB, 1), lambda i: (i, 0)),
            pl.BlockSpec((1, D), lambda i: (0, 0)),
        ],
        out_specs=pl.BlockSpec((_RB, D), lambda i: (i, 0)),
        out_shape=jax.ShapeDtypeStruct((NN, D), jnp.float32),
    )(s, y, p0, p1, b)


def kernel(X, edges, W1, b1, W2, b2):
    src = edges[0].astype(jnp.int32)
    dst = edges[1].astype(jnp.int32)
    npad = EP - NE
    pad_idx = NN + (jnp.arange(npad, dtype=jnp.int32) % (NP - NN))
    src_p = jnp.concatenate([src, pad_idx])
    dst_p = jnp.concatenate([dst, pad_idx])
    srcs2 = jnp.concatenate([src_p, src_p + NP])
    dst3 = dst_p.reshape(NSUB, NCH, K)
    dst_deg = dst_p.reshape(2 * NSUB, NCHD, K)

    zeros_np = jnp.zeros((NP,), jnp.float32)
    ones_k = jnp.ones((K,), jnp.float32)
    zrows = jnp.zeros((STRIPE, DH), jnp.float32)
    b1r = b1.reshape(1, D)
    b2r = b2.reshape(1, D)

    degf = _degree_kernel(dst_deg, zeros_np, ones_k)
    p0 = degf[:NP].reshape(NP, 1)
    p1 = degf[NP:].reshape(NP, 1)

    y1 = _mm_scale(X, W1, p0, p1)
    s1 = _segsum_kernel(y1.reshape(2 * NP, DH), srcs2, dst3, zrows)
    y2 = _combine_mm(s1.reshape(2, NP, DH), y1, p0, p1, b1r, W2)
    s2 = _segsum_kernel(y2.reshape(2 * NP, DH), srcs2, dst3, zrows)
    return _final(s2.reshape(2, NP, DH), y2, p0, p1, b2r)

# --- scband reference (transcript-rebuilt; emitter-appended) ---
"""Pipeline reference for scband-gcn-2628519985882 (READ-ONLY COPY).

The authoritative reference and input builder live on the scoring server;
editing this copy changes nothing except your own understanding.
"""

import jax, jax.numpy as jnp
import numpy as np

N = 10000
E = 160000
D0, D1, D2 = 256, 256, 256


def setup_inputs(seed: int = 0) -> dict:
    key = jax.random.key(seed)
    k1, k2, k3, k4 = jax.random.split(key, 4)
    X = jax.random.normal(k1, (N, D0), dtype=jnp.float32)
    edges = jax.random.randint(k2, (2, E), 0, N, dtype=jnp.int64)
    W1 = jax.random.normal(k3, (D0, D1), dtype=jnp.float32) * (1.0 / np.sqrt(D0))
    b1 = jnp.zeros((D1,), dtype=jnp.float32)
    W2 = jax.random.normal(k4, (D1, D2), dtype=jnp.float32) * (1.0 / np.sqrt(D1))
    b2 = jnp.zeros((D2,), dtype=jnp.float32)
    return {"X": X, "edges": edges, "W1": W1, "b1": b1, "W2": W2, "b2": b2}


def _gcn_conv(x, edge_index, W, b, num_nodes):
    # PyG-style GCNConv: add self-loops, symmetric normalization, then
    # out = D^{-1/2} (A + I) D^{-1/2} (X W) + b
    row = edge_index[0]
    col = edge_index[1]
    loop = jnp.arange(num_nodes, dtype=row.dtype)
    src = jnp.concatenate([row, loop])
    dst = jnp.concatenate([col, loop])
    ones = jnp.ones(dst.shape[0], dtype=x.dtype)
    deg = jax.ops.segment_sum(ones, dst, num_segments=num_nodes)
    deg_inv_sqrt = jnp.where(deg > 0, jax.lax.rsqrt(deg), 0.0)
    norm = deg_inv_sqrt[src] * deg_inv_sqrt[dst]
    xw = x @ W
    msgs = jnp.take(xw, src, axis=0) * norm[:, None]
    out = jax.ops.segment_sum(msgs, dst, num_segments=num_nodes)
    return out + b


def reference(X, edges, W1, b1, W2, b2):
    h = _gcn_conv(X, edges, W1, b1, N)
    h = jax.nn.relu(h)
    h = _gcn_conv(h, edges, W2, b2, N)
    return h

if __name__ == "__main__":
    import jax
    _d = setup_inputs()
    print(jax.jit(kernel)(*tuple(_d.values())))

</pallas_src>

<mosaic_0001>
#map = affine_map<(d0, d1) -> (0, 0, 0)>
#map1 = affine_map<(d0, d1) -> (0)>
module attributes {stable_mosaic.version = 14 : i64} {
  func.func @_degree_kernel(%arg0: i32, %arg1: i32, %arg2: memref<32x40x128xi32, #tpu.memory_space<hbm>>, %arg3: memref<10240xf32, #tpu.memory_space<hbm>>, %arg4: memref<128xf32, #tpu.memory_space<hbm>>, %arg5: memref<20480xf32, #tpu.memory_space<hbm>>, %arg6: memref<40x128xi32, #tpu.memory_space<vmem>>, %arg7: memref<128xf32, #tpu.memory_space<vmem>>, %arg8: memref<10240xf32, #tpu.memory_space<vmem_shared>>, %arg9: memref<!tpu.dma_semaphore, #tpu.memory_space<semaphore_mem>>) attributes {dimension_semantics = [#tpu.dimension_semantics<core_parallel>, #tpu.dimension_semantics<subcore_parallel>], iteration_bounds = array<i64: 2, 16>, scalar_prefetch = 0 : i64, scratch_operands = 4 : i64, tpu.core_type = #tpu.core_type<sc_vector_subcore>, window_params = [{transform_indices = #map}, {transform_indices = #map1}, {transform_indices = #map1}, {transform_indices = #map1}]} {
    %mul3A = arith.constant 16 : i32
    %mul3A_0 = arith.muli %arg0, %mul3A : i32
    %add3A = arith.addi %mul3A_0, %arg1 : i32
    "tpu.region"() ({
      %run_scoped3A = tpu.sem_alloc : memref<!tpu.dma_semaphore, #tpu.memory_space<semaphore_mem>>
      %dma_start3A = arith.constant 0 : i32
      %dma_start3A_22 = arith.constant 0 : i32
      %dma_start3A_23 = tpu.memref_slice %arg2[%add3A, %dma_start3A, %dma_start3A_22] : memref<32x40x128xi32, #tpu.memory_space<hbm>> -> memref<1x40x128xi32, #tpu.memory_space<hbm>>
      %dma_start3A_24 = tpu.memref_squeeze %dma_start3A_23 : memref<1x40x128xi32, #tpu.memory_space<hbm>> -> memref<40x128xi32, #tpu.memory_space<hbm>>
      %dma_start3A_25 = arith.constant 0 : i32
      %dma_start3A_26 = arith.constant 0 : i32
      %dma_start3A_27 = tpu.memref_slice %arg2[%add3A, %dma_start3A_25, %dma_start3A_26] : memref<32x40x128xi32, #tpu.memory_space<hbm>> -> memref<1x40x128xi32, #tpu.memory_space<hbm>>
      %dma_start3A_28 = tpu.memref_squeeze %dma_start3A_27 : memref<1x40x128xi32, #tpu.memory_space<hbm>> -> memref<40x128xi32, #tpu.memory_space<hbm>>
      tpu.enqueue_dma source(%dma_start3A_28 : memref<40x128xi32, #tpu.memory_space<hbm>>) target(%arg6 : memref<40x128xi32, #tpu.memory_space<vmem>>) target_semaphore(%run_scoped3A : memref<!tpu.dma_semaphore, #tpu.memory_space<semaphore_mem>>)
      %dma_wait3A = arith.constant 0 : i32
      %dma_wait3A_29 = arith.constant 0 : i32
      %dma_wait3A_30 = tpu.memref_slice %arg2[%add3A, %dma_wait3A, %dma_wait3A_29] : memref<32x40x128xi32, #tpu.memory_space<hbm>> -> memref<1x40x128xi32, #tpu.memory_space<hbm>>
      %dma_wait3A_31 = tpu.memref_squeeze %dma_wait3A_30 : memref<1x40x128xi32, #tpu.memory_space<hbm>> -> memref<40x128xi32, #tpu.memory_space<hbm>>
      %dma_wait3A_32 = arith.constant 0 : i32
      %dma_wait3A_33 = arith.constant 0 : i32
      %dma_wait3A_34 = tpu.memref_slice %arg2[%add3A, %dma_wait3A_32, %dma_wait3A_33] : memref<32x40x128xi32, #tpu.memory_space<hbm>> -> memref<1x40x128xi32, #tpu.memory_space<hbm>>
      %dma_wait3A_35 = tpu.memref_squeeze %dma_wait3A_34 : memref<1x40x128xi32, #tpu.memory_space<hbm>> -> memref<40x128xi32, #tpu.memory_space<hbm>>
      tpu.wait_dma2 semaphore(%run_scoped3A : memref<!tpu.dma_semaphore, #tpu.memory_space<semaphore_mem>>) src(%dma_wait3A_35 : memref<40x128xi32, #tpu.memory_space<hbm>>) dst(%arg6 : memref<40x128xi32, #tpu.memory_space<vmem>>)
      tpu.yield
    }) : () -> ()
    "tpu.region"() ({
      %run_scoped3A = tpu.sem_alloc : memref<!tpu.dma_semaphore, #tpu.memory_space<semaphore_mem>>
      tpu.enqueue_dma source(%arg4 : memref<128xf32, #tpu.memory_space<hbm>>) target(%arg7 : memref<128xf32, #tpu.memory_space<vmem>>) target_semaphore(%run_scoped3A : memref<!tpu.dma_semaphore, #tpu.memory_space<semaphore_mem>>)
      tpu.wait_dma2 semaphore(%run_scoped3A : memref<!tpu.dma_semaphore, #tpu.memory_space<semaphore_mem>>) src(%arg4 : memref<128xf32, #tpu.memory_space<hbm>>) dst(%arg7 : memref<128xf32, #tpu.memory_space<vmem>>)
      tpu.yield
    }) : () -> ()
    %eq3A = arith.constant 0 : i32
    %eq3A_1 = arith.cmpi eq, %arg1, %eq3A : i32
    %convert_element_type3A = arith.extui %eq3A_1 : i1 to i32
    %cond3A = arith.constant 0 : i32
    %cond3A_2 = arith.cmpi ne, %convert_element_type3A, %cond3A : i32
    scf.if %cond3A_2 {
      "tpu.region"() ({
        %run_scoped3A = tpu.sem_alloc : memref<!tpu.dma_semaphore, #tpu.memory_space<semaphore_mem>>
        tpu.enqueue_dma source(%arg3 : memref<10240xf32, #tpu.memory_space<hbm>>) target(%arg8 : memref<10240xf32, #tpu.memory_space<vmem_shared>>) target_semaphore(%run_scoped3A : memref<!tpu.dma_semaphore, #tpu.memory_space<semaphore_mem>>)
        tpu.wait_dma2 semaphore(%run_scoped3A : memref<!tpu.dma_semaphore, #tpu.memory_space<semaphore_mem>>) src(%arg3 : memref<10240xf32, #tpu.memory_space<hbm>>) dst(%arg8 : memref<10240xf32, #tpu.memory_space<vmem_shared>>)
        tpu.yield
      }) : () -> ()
    } else {
    }
    %barrier3A = arith.constant 0 : index
    tpu.barrier barrier_id(%barrier3A)
    %scan3A = arith.constant 0 : i32
    %scan3A_3 = arith.constant 0 : i32
    %scan3A_4 = arith.constant 40 : i32
    %scan3A_5 = arith.addi %scan3A_3, %scan3A_4 : i32
    %scan3A_6 = arith.constant 1 : i32
    scf.for %scan3A_22 = %scan3A_3 to %scan3A_5 step %scan3A_6  : i32 {
      %dma_start3A = arith.constant 0 : i32
      %dma_start3A_23 = tpu.memref_slice %arg6[%scan3A_22, %dma_start3A] : memref<40x128xi32, #tpu.memory_space<vmem>> -> memref<1x128xi32, #tpu.memory_space<vmem>>
      %dma_start3A_24 = tpu.memref_squeeze %dma_start3A_23 : memref<1x128xi32, #tpu.memory_space<vmem>> -> memref<128xi32, #tpu.memory_space<vmem>>
      %dma_start3A_25 = arith.constant 0 : i32
      %dma_start3A_26 = tpu.memref_slice %arg8[%dma_start3A_25] : memref<10240xf32, #tpu.memory_space<vmem_shared>> -> memref<10240xf32, #tpu.memory_space<vmem_shared>>
      tpu.enqueue_indirect_dma source(%arg7 : memref<128xf32, #tpu.memory_space<vmem>>) target(%dma_start3A_26 : memref<10240xf32, #tpu.memory_space<vmem_shared>>) offsets(%dma_start3A_24 : memref<128xi32, #tpu.memory_space<vmem>>) semaphore(%arg9 : memref<!tpu.dma_semaphore, #tpu.memory_space<semaphore_mem>>) {add = true}
    }
    %scan3A_7 = arith.constant 40 : i32
    %scan3A_8 = arith.constant 0 : i32
    %scan3A_9 = arith.constant 0 : i32
    %scan3A_10 = arith.constant 40 : i32
    %scan3A_11 = arith.addi %scan3A_9, %scan3A_10 : i32
    %scan3A_12 = arith.constant 1 : i32
    scf.for %scan3A_22 = %scan3A_9 to %scan3A_11 step %scan3A_12  : i32 {
      %dma_wait3A = arith.constant 0 : i32
      %dma_wait3A_23 = arith.constant 0 : i32
      %dma_wait3A_24 = tpu.memref_slice %arg6[%dma_wait3A, %dma_wait3A_23] : memref<40x128xi32, #tpu.memory_space<vmem>> -> memref<1x128xi32, #tpu.memory_space<vmem>>
      %dma_wait3A_25 = tpu.memref_squeeze %dma_wait3A_24 : memref<1x128xi32, #tpu.memory_space<vmem>> -> memref<128xi32, #tpu.memory_space<vmem>>
      %dma_wait3A_26 = arith.constant 0 : i32
      %dma_wait3A_27 = tpu.memref_slice %arg8[%dma_wait3A_26] : memref<10240xf32, #tpu.memory_space<vmem_shared>> -> memref<10240xf32, #tpu.memory_space<vmem_shared>>
      tpu.wait_indirect_dma semaphore(%arg9 : memref<!tpu.dma_semaphore, #tpu.memory_space<semaphore_mem>>) src(%arg7 : memref<128xf32, #tpu.memory_space<vmem>>) dst(%dma_wait3A_27 : memref<10240xf32, #tpu.memory_space<vmem_shared>>)
    }
    %scan3A_13 = arith.constant 40 : i32
    %barrier3A_14 = arith.constant 0 : index
    tpu.barrier barrier_id(%barrier3A_14)
    %mul3A_15 = arith.constant 640 : i32
    %mul3A_16 = arith.muli %arg1, %mul3A_15 : i32
    %mul3A_17 = arith.constant 10240 : i32
    %mul3A_18 = arith.muli %arg0, %mul3A_17 : i32
    %mul3A_19 = arith.constant 640 : i32
    %mul3A_20 = arith.muli %arg1, %mul3A_19 : i32
    %add3A_21 = arith.addi %mul3A_18, %mul3A_20 : i32
    "tpu.region"() ({
      %run_scoped3A = tpu.sem_alloc : memref<!tpu.dma_semaphore, #tpu.memory_space<semaphore_mem>>
      %dma_start3A = tpu.memref_slice %arg5[%add3A_21] : memref<20480xf32, #tpu.memory_space<hbm>> -> memref<640xf32, #tpu.memory_space<hbm>>
      %dma_start3A_22 = tpu.memref_slice %arg8[%mul3A_16] : memref<10240xf32, #tpu.memory_space<vmem_shared>> -> memref<640xf32, #tpu.memory_space<vmem_shared>>
      tpu.enqueue_dma source(%dma_start3A_22 : memref<640xf32, #tpu.memory_space<vmem_shared>>) target(%dma_start3A : memref<640xf32, #tpu.memory_space<hbm>>) target_semaphore(%run_scoped3A : memref<!tpu.dma_semaphore, #tpu.memory_space<semaphore_mem>>)
      %dma_wait3A = tpu.memref_slice %arg5[%add3A_21] : memref<20480xf32, #tpu.memory_space<hbm>> -> memref<640xf32, #tpu.memory_space<hbm>>
      %dma_wait3A_23 = tpu.memref_slice %arg8[%mul3A_16] : memref<10240xf32, #tpu.memory_space<vmem_shared>> -> memref<640xf32, #tpu.memory_space<vmem_shared>>
      tpu.wait_dma2 semaphore(%run_scoped3A : memref<!tpu.dma_semaphore, #tpu.memory_space<semaphore_mem>>) src(%dma_wait3A_23 : memref<640xf32, #tpu.memory_space<vmem_shared>>) dst(%dma_wait3A : memref<640xf32, #tpu.memory_space<hbm>>)
      tpu.yield
    }) : () -> ()
    return
  }
}

#map = affine_map<(d0, d1) -> (0, 0)>
#map1 = affine_map<(d0, d1) -> (0)>
#map2 = affine_map<(d0, d1) -> (0, 0, 0)>
module attributes {stable_mosaic.version = 14 : i64} {
  func.func @_segsum_kernel(%arg0: i32, %arg1: i32, %arg2: memref<20480x128xf32, #tpu.memory_space<hbm>>, %arg3: memref<327680xi32, #tpu.memory_space<hbm>>, %arg4: memref<16x80x128xi32, #tpu.memory_space<hbm>>, %arg5: memref<640x128xf32, #tpu.memory_space<hbm>>, %arg6: memref<20480x128xf32, #tpu.memory_space<hbm>>, %arg7: memref<128xi32, #tpu.memory_space<vmem>>, %arg8: memref<128xi32, #tpu.memory_space<vmem>>, %arg9: memref<80x128xi32, #tpu.memory_space<vmem>>, %arg10: memref<128x128xf32, #tpu.memory_space<vmem>>, %arg11: memref<128x128xf32, #tpu.memory_space<vmem>>, %arg12: memref<10240x128xf32, #tpu.memory_space<vmem_shared>>, %arg13: memref<!tpu.dma_semaphore, #tpu.memory_space<semaphore_mem>>, %arg14: memref<!tpu.dma_semaphore, #tpu.memory_space<semaphore_mem>>, %arg15: memref<!tpu.dma_semaphore, #tpu.memory_space<semaphore_mem>>, %arg16: memref<!tpu.dma_semaphore, #tpu.memory_space<semaphore_mem>>, %arg17: memref<!tpu.dma_semaphore, #tpu.memory_space<semaphore_mem>>, %arg18: memref<!tpu.dma_semaphore, #tpu.memory_space<semaphore_mem>>) attributes {dimension_semantics = [#tpu.dimension_semantics<core_parallel>, #tpu.dimension_semantics<subcore_parallel>], iteration_bounds = array<i64: 2, 16>, scalar_prefetch = 0 : i64, scratch_operands = 12 : i64, tpu.core_type = #tpu.core_type<sc_vector_subcore>, window_params = [{transform_indices = #map}, {transform_indices = #map1}, {transform_indices = #map2}, {transform_indices = #map}, {transform_indices = #map}]} {
    %mul3A = arith.constant 16 : i32
    %mul3A_0 = arith.muli %arg0, %mul3A : i32
    %add3A = arith.addi %mul3A_0, %arg1 : i32
    %mul3A_1 = arith.constant 10240 : i32
    %mul3A_2 = arith.muli %add3A, %mul3A_1 : i32
    %dma_start3A = arith.constant 0 : i32
    %dma_start3A_3 = arith.constant 0 : i32
    %dma_start3A_4 = tpu.memref_slice %arg4[%arg1, %dma_start3A, %dma_start3A_3] : memref<16x80x128xi32, #tpu.memory_space<hbm>> -> memref<1x80x128xi32, #tpu.memory_space<hbm>>
    %dma_start3A_5 = tpu.memref_squeeze %dma_start3A_4 : memref<1x80x128xi32, #tpu.memory_space<hbm>> -> memref<80x128xi32, #tpu.memory_space<hbm>>
    %dma_start3A_6 = arith.constant 0 : i32
    %dma_start3A_7 = arith.constant 0 : i32
    %dma_start3A_8 = tpu.memref_slice %arg4[%arg1, %dma_start3A_6, %dma_start3A_7] : memref<16x80x128xi32, #tpu.memory_space<hbm>> -> memref<1x80x128xi32, #tpu.memory_space<hbm>>
    %dma_start3A_9 = tpu.memref_squeeze %dma_start3A_8 : memref<1x80x128xi32, #tpu.memory_space<hbm>> -> memref<80x128xi32, #tpu.memory_space<hbm>>
    tpu.enqueue_dma source(%dma_start3A_9 : memref<80x128xi32, #tpu.memory_space<hbm>>) target(%arg9 : memref<80x128xi32, #tpu.memory_space<vmem>>) target_semaphore(%arg13 : memref<!tpu.dma_semaphore, #tpu.memory_space<semaphore_mem>>)
    %mul3A_10 = arith.constant 640 : i32
    %mul3A_11 = arith.muli %arg1, %mul3A_10 : i32
    %dma_start3A_12 = arith.constant 0 : i32
    %dma_start3A_13 = tpu.memref_slice %arg12[%mul3A_11, %dma_start3A_12] : memref<10240x128xf32, #tpu.memory_space<vmem_shared>> -> memref<640x128xf32, #tpu.memory_space<vmem_shared>>
    tpu.enqueue_dma source(%arg5 : memref<640x128xf32, #tpu.memory_space<hbm>>) target(%dma_start3A_13 : memref<640x128xf32, #tpu.memory_space<vmem_shared>>) target_semaphore(%arg17 : memref<!tpu.dma_semaphore, #tpu.memory_space<semaphore_mem>>)
    %dma_wait3A = arith.constant 0 : i32
    %dma_wait3A_14 = arith.constant 0 : i32
    %dma_wait3A_15 = tpu.memref_slice %arg4[%arg1, %dma_wait3A, %dma_wait3A_14] : memref<16x80x128xi32, #tpu.memory_space<hbm>> -> memref<1x80x128xi32, #tpu.memory_space<hbm>>
    %dma_wait3A_16 = tpu.memref_squeeze %dma_wait3A_15 : memref<1x80x128xi32, #tpu.memory_space<hbm>> -> memref<80x128xi32, #tpu.memory_space<hbm>>
    %dma_wait3A_17 = arith.constant 0 : i32
    %dma_wait3A_18 = arith.constant 0 : i32
    %dma_wait3A_19 = tpu.memref_slice %arg4[%arg1, %dma_wait3A_17, %dma_wait3A_18] : memref<16x80x128xi32, #tpu.memory_space<hbm>> -> memref<1x80x128xi32, #tpu.memory_space<hbm>>
    %dma_wait3A_20 = tpu.memref_squeeze %dma_wait3A_19 : memref<1x80x128xi32, #tpu.memory_space<hbm>> -> memref<80x128xi32, #tpu.memory_space<hbm>>
    tpu.wait_dma2 semaphore(%arg13 : memref<!tpu.dma_semaphore, #tpu.memory_space<semaphore_mem>>) src(%dma_wait3A_20 : memref<80x128xi32, #tpu.memory_space<hbm>>) dst(%arg9 : memref<80x128xi32, #tpu.memory_space<vmem>>)
    %mul3A_21 = arith.constant 640 : i32
    %mul3A_22 = arith.muli %arg1, %mul3A_21 : i32
    %dma_wait3A_23 = arith.constant 0 : i32
    %dma_wait3A_24 = tpu.memref_slice %arg12[%mul3A_22, %dma_wait3A_23] : memref<10240x128xf32, #tpu.memory_space<vmem_shared>> -> memref<640x128xf32, #tpu.memory_space<vmem_shared>>
    tpu.wait_dma2 semaphore(%arg17 : memref<!tpu.dma_semaphore, #tpu.memory_space<semaphore_mem>>) src(%arg5 : memref<640x128xf32, #tpu.memory_space<hbm>>) dst(%dma_wait3A_24 : memref<640x128xf32, #tpu.memory_space<vmem_shared>>)
    %barrier3A = arith.constant 0 : index
    tpu.barrier barrier_id(%barrier3A)
    %min3A = arith.constant 0 : i32
    %min3A_25 = arith.constant 79 : i32
    %min3A_26 = arith.minsi %min3A, %min3A_25 : i32
    %mul3A_27 = arith.constant 128 : i32
    %mul3A_28 = arith.muli %min3A_26, %mul3A_27 : i32
    %add3A_29 = arith.addi %mul3A_2, %mul3A_28 : i32
    %dma_start3A_30 = tpu.memref_slice %arg3[%add3A_29] : memref<327680xi32, #tpu.memory_space<hbm>> -> memref<128xi32, #tpu.memory_space<hbm>>
    %dma_start3A_31 = tpu.memref_slice %arg3[%add3A_29] : memref<327680xi32, #tpu.memory_space<hbm>> -> memref<128xi32, #tpu.memory_space<hbm>>
    tpu.enqueue_dma source(%dma_start3A_31 : memref<128xi32, #tpu.memory_space<hbm>>) target(%arg7 : memref<128xi32, #tpu.memory_space<vmem>>) target_semaphore(%arg13 : memref<!tpu.dma_semaphore, #tpu.memory_space<semaphore_mem>>)
    %min3A_32 = arith.constant 1 : i32
    %min3A_33 = arith.constant 79 : i32
    %min3A_34 = arith.minsi %min3A_32, %min3A_33 : i32
    %mul3A_35 = arith.constant 128 : i32
    %mul3A_36 = arith.muli %min3A_34, %mul3A_35 : i32
    %add3A_37 = arith.addi %mul3A_2, %mul3A_36 : i32
    %dma_start3A_38 = tpu.memref_slice %arg3[%add3A_37] : memref<327680xi32, #tpu.memory_space<hbm>> -> memref<128xi32, #tpu.memory_space<hbm>>
    %dma_start3A_39 = tpu.memref_slice %arg3[%add3A_37] : memref<327680xi32, #tpu.memory_space<hbm>> -> memref<128xi32, #tpu.memory_space<hbm>>
    tpu.enqueue_dma source(%dma_start3A_39 : memref<128xi32, #tpu.memory_space<hbm>>) target(%arg8 : memref<128xi32, #tpu.memory_space<vmem>>) target_semaphore(%arg14 : memref<!tpu.dma_semaphore, #tpu.memory_space<semaphore_mem>>)
    %dma_wait3A_40 = tpu.memref_slice %arg3[%mul3A_2] : memref<327680xi32, #tpu.memory_space<hbm>> -> memref<128xi32, #tpu.memory_space<hbm>>
    %dma_wait3A_41 = tpu.memref_slice %arg3[%mul3A_2] : memref<327680xi32, #tpu.memory_space<hbm>> -> memref<128xi32, #tpu.memory_space<hbm>>
    tpu.wait_dma2 semaphore(%arg13 : memref<!tpu.dma_semaphore, #tpu.memory_space<semaphore_mem>>) src(%dma_wait3A_41 : memref<128xi32, #tpu.memory_space<hbm>>) dst(%arg7 : memref<128xi32, #tpu.memory_space<vmem>>)
    %dma_start3A_42 = arith.constant 0 : i32
    %dma_start3A_43 = arith.constant 0 : i32
    %dma_start3A_44 = tpu.memref_slice %arg2[%dma_start3A_42, %dma_start3A_43] : memref<20480x128xf32, #tpu.memory_space<hbm>> -> memref<20480x128xf32, #tpu.memory_space<hbm>>
    tpu.enqueue_indirect_dma source(%dma_start3A_44 : memref<20480x128xf32, #tpu.memory_space<hbm>>) target(%arg10 : memref<128x128xf32, #tpu.memory_space<vmem>>) offsets(%arg7 : memref<128xi32, #tpu.memory_space<vmem>>) semaphore(%arg15 : memref<!tpu.dma_semaphore, #tpu.memory_space<semaphore_mem>>)
    %dma_wait3A_45 = arith.constant 0 : i32
    %dma_wait3A_46 = arith.constant 0 : i32
    %dma_wait3A_47 = tpu.memref_slice %arg2[%dma_wait3A_45, %dma_wait3A_46] : memref<20480x128xf32, #tpu.memory_space<hbm>> -> memref<20480x128xf32, #tpu.memory_space<hbm>>
    tpu.wait_indirect_dma semaphore(%arg15 : memref<!tpu.dma_semaphore, #tpu.memory_space<semaphore_mem>>) src(%dma_wait3A_47 : memref<20480x128xf32, #tpu.memory_space<hbm>>) dst(%arg10 : memref<128x128xf32, #tpu.memory_space<vmem>>)
    %dma_start3A_48 = arith.constant 0 : i32
    %dma_start3A_49 = arith.constant 0 : i32
    %dma_start3A_50 = tpu.memref_slice %arg9[%dma_start3A_48, %dma_start3A_49] : memref<80x128xi32, #tpu.memory_space<vmem>> -> memref<1x128xi32, #tpu.memory_space<vmem>>
    %dma_start3A_51 = tpu.memref_squeeze %dma_start3A_50 : memref<1x128xi32, #tpu.memory_space<vmem>> -> memref<128xi32, #tpu.memory_space<vmem>>
    %dma_start3A_52 = arith.constant 0 : i32
    %dma_start3A_53 = arith.constant 0 : i32
    %dma_start3A_54 = tpu.memref_slice %arg12[%dma_start3A_52, %dma_start3A_53] : memref<10240x128xf32, #tpu.memory_space<vmem_shared>> -> memref<10240x128xf32, #tpu.memory_space<vmem_shared>>
    tpu.enqueue_indirect_dma source(%arg10 : memref<128x128xf32, #tpu.memory_space<vmem>>) target(%dma_start3A_54 : memref<10240x128xf32, #tpu.memory_space<vmem_shared>>) offsets(%dma_start3A_51 : memref<128xi32, #tpu.memory_space<vmem>>) semaphore(%arg17 : memref<!tpu.dma_semaphore, #tpu.memory_space<semaphore_mem>>) {add = true}
    %min3A_55 = arith.constant 2 : i32
    %min3A_56 = arith.constant 79 : i32
    %min3A_57 = arith.minsi %min3A_55, %min3A_56 : i32
    %mul3A_58 = arith.constant 128 : i32
    %mul3A_59 = arith.muli %min3A_57, %mul3A_58 : i32
    %add3A_60 = arith.addi %mul3A_2, %mul3A_59 : i32
    %dma_start3A_61 = tpu.memref_slice %arg3[%add3A_60] : memref<327680xi32, #tpu.memory_space<hbm>> -> memref<128xi32, #tpu.memory_space<hbm>>
    %dma_start3A_62 = tpu.memref_slice %arg3[%add3A_60] : memref<327680xi32, #tpu.memory_space<hbm>> -> memref<128xi32, #tpu.memory_space<hbm>>
    tpu.enqueue_dma source(%dma_start3A_62 : memref<128xi32, #tpu.memory_space<hbm>>) target(%arg7 : memref<128xi32, #tpu.memory_space<vmem>>) target_semaphore(%arg13 : memref<!tpu.dma_semaphore, #tpu.memory_space<semaphore_mem>>)
    %dma_wait3A_63 = tpu.memref_slice %arg3[%mul3A_2] : memref<327680xi32, #tpu.memory_space<hbm>> -> memref<128xi32, #tpu.memory_space<hbm>>
    %dma_wait3A_64 = tpu.memref_slice %arg3[%mul3A_2] : memref<327680xi32, #tpu.memory_space<hbm>> -> memref<128xi32, #tpu.memory_space<hbm>>
    tpu.wait_dma2 semaphore(%arg14 : memref<!tpu.dma_semaphore, #tpu.memory_space<semaphore_mem>>) src(%dma_wait3A_64 : memref<128xi32, #tpu.memory_space<hbm>>) dst(%arg8 : memref<128xi32, #tpu.memory_space<vmem>>)
    %dma_start3A_65 = arith.constant 0 : i32
    %dma_start3A_66 = arith.constant 0 : i32
    %dma_start3A_67 = tpu.memref_slice %arg2[%dma_start3A_65, %dma_start3A_66] : memref<20480x128xf32, #tpu.memory_space<hbm>> -> memref<20480x128xf32, #tpu.memory_space<hbm>>
    tpu.enqueue_indirect_dma source(%dma_start3A_67 : memref<20480x128xf32, #tpu.memory_space<hbm>>) target(%arg11 : memref<128x128xf32, #tpu.memory_space<vmem>>) offsets(%arg8 : memref<128xi32, #tpu.memory_space<vmem>>) semaphore(%arg16 : memref<!tpu.dma_semaphore, #tpu.memory_space<semaphore_mem>>)
    %scan3A = arith.constant 0 : i32
    %scan3A_68 = arith.constant 0 : i32
    %scan3A_69 = arith.constant 39 : i32
    %scan3A_70 = arith.addi %scan3A_68, %scan3A_69 : i32
    %scan3A_71 = arith.constant 1 : i32
    scf.for %scan3A_107 = %scan3A_68 to %scan3A_70 step %scan3A_71  : i32 {
      %mul3A_108 = arith.constant 2 : i32
      %mul3A_109 = arith.muli %mul3A_108, %scan3A_107 : i32
      %add3A_110 = arith.constant 1 : i32
      %add3A_111 = arith.addi %mul3A_109, %add3A_110 : i32
      %dma_wait3A_112 = arith.constant 0 : i32
      %dma_wait3A_113 = arith.constant 0 : i32
      %dma_wait3A_114 = tpu.memref_slice %arg2[%dma_wait3A_112, %dma_wait3A_113] : memref<20480x128xf32, #tpu.memory_space<hbm>> -> memref<20480x128xf32, #tpu.memory_space<hbm>>
      tpu.wait_indirect_dma semaphore(%arg16 : memref<!tpu.dma_semaphore, #tpu.memory_space<semaphore_mem>>) src(%dma_wait3A_114 : memref<20480x128xf32, #tpu.memory_space<hbm>>) dst(%arg11 : memref<128x128xf32, #tpu.memory_space<vmem>>)
      %dma_start3A_115 = arith.constant 0 : i32
      %dma_start3A_116 = tpu.memref_slice %arg9[%add3A_111, %dma_start3A_115] : memref<80x128xi32, #tpu.memory_space<vmem>> -> memref<1x128xi32, #tpu.memory_space<vmem>>
      %dma_start3A_117 = tpu.memref_squeeze %dma_start3A_116 : memref<1x128xi32, #tpu.memory_space<vmem>> -> memref<128xi32, #tpu.memory_space<vmem>>
      %dma_start3A_118 = arith.constant 0 : i32
      %dma_start3A_119 = arith.constant 0 : i32
      %dma_start3A_120 = tpu.memref_slice %arg12[%dma_start3A_118, %dma_start3A_119] : memref<10240x128xf32, #tpu.memory_space<vmem_shared>> -> memref<10240x128xf32, #tpu.memory_space<vmem_shared>>
      tpu.enqueue_indirect_dma source(%arg11 : memref<128x128xf32, #tpu.memory_space<vmem>>) target(%dma_start3A_120 : memref<10240x128xf32, #tpu.memory_space<vmem_shared>>) offsets(%dma_start3A_117 : memref<128xi32, #tpu.memory_space<vmem>>) semaphore(%arg18 : memref<!tpu.dma_semaphore, #tpu.memory_space<semaphore_mem>>) {add = true}
      %add3A_121 = arith.constant 2 : i32
      %add3A_122 = arith.addi %add3A_111, %add3A_121 : i32
      %min3A_123 = arith.constant 79 : i32
      %min3A_124 = arith.minsi %add3A_122, %min3A_123 : i32
      %mul3A_125 = arith.constant 128 : i32
      %mul3A_126 = arith.muli %min3A_124, %mul3A_125 : i32
      %add3A_127 = arith.addi %mul3A_2, %mul3A_126 : i32
      %dma_start3A_128 = tpu.memref_slice %arg3[%add3A_127] : memref<327680xi32, #tpu.memory_space<hbm>> -> memref<128xi32, #tpu.memory_space<hbm>>
      %dma_start3A_129 = tpu.memref_slice %arg3[%add3A_127] : memref<327680xi32, #tpu.memory_space<hbm>> -> memref<128xi32, #tpu.memory_space<hbm>>
      tpu.enqueue_dma source(%dma_start3A_129 : memref<128xi32, #tpu.memory_space<hbm>>) target(%arg8 : memref<128xi32, #tpu.memory_space<vmem>>) target_semaphore(%arg14 : memref<!tpu.dma_semaphore, #tpu.memory_space<semaphore_mem>>)
      %dma_wait3A_130 = arith.constant 0 : i32
      %dma_wait3A_131 = arith.constant 0 : i32
      %dma_wait3A_132 = tpu.memref_slice %arg9[%dma_wait3A_130, %dma_wait3A_131] : memref<80x128xi32, #tpu.memory_space<vmem>> -> memref<1x128xi32, #tpu.memory_space<vmem>>
      %dma_wait3A_133 = tpu.memref_squeeze %dma_wait3A_132 : memref<1x128xi32, #tpu.memory_space<vmem>> -> memref<128xi32, #tpu.memory_space<vmem>>
      %dma_wait3A_134 = arith.constant 0 : i32
      %dma_wait3A_135 = arith.constant 0 : i32
      %dma_wait3A_136 = tpu.memref_slice %arg12[%dma_wait3A_134, %dma_wait3A_135] : memref<10240x128xf32, #tpu.memory_space<vmem_shared>> -> memref<10240x128xf32, #tpu.memory_space<vmem_shared>>
      tpu.wait_indirect_dma semaphore(%arg17 : memref<!tpu.dma_semaphore, #tpu.memory_space<semaphore_mem>>) src(%arg10 : memref<128x128xf32, #tpu.memory_space<vmem>>) dst(%dma_wait3A_136 : memref<10240x128xf32, #tpu.memory_space<vmem_shared>>)
      %dma_wait3A_137 = tpu.memref_slice %arg3[%mul3A_2] : memref<327680xi32, #tpu.memory_space<hbm>> -> memref<128xi32, #tpu.memory_space<hbm>>
      %dma_wait3A_138 = tpu.memref_slice %arg3[%mul3A_2] : memref<327680xi32, #tpu.memory_space<hbm>> -> memref<128xi32, #tpu.memory_space<hbm>>
      tpu.wait_dma2 semaphore(%arg13 : memref<!tpu.dma_semaphore, #tpu.memory_space<semaphore_mem>>) src(%dma_wait3A_138 : memref<128xi32, #tpu.memory_space<hbm>>) dst(%arg7 : memref<128xi32, #tpu.memory_space<vmem>>)
      %dma_start3A_139 = arith.constant 0 : i32
      %dma_start3A_140 = arith.constant 0 : i32
      %dma_start3A_141 = tpu.memref_slice %arg2[%dma_start3A_139, %dma_start3A_140] : memref<20480x128xf32, #tpu.memory_space<hbm>> -> memref<20480x128xf32, #tpu.memory_space<hbm>>
      tpu.enqueue_indirect_dma source(%dma_start3A_141 : memref<20480x128xf32, #tpu.memory_space<hbm>>) target(%arg10 : memref<128x128xf32, #tpu.memory_space<vmem>>) offsets(%arg7 : memref<128xi32, #tpu.memory_space<vmem>>) semaphore(%arg15 : memref<!tpu.dma_semaphore, #tpu.memory_space<semaphore_mem>>)
      %mul3A_142 = arith.constant 2 : i32
      %mul3A_143 = arith.muli %mul3A_142, %scan3A_107 : i32
      %add3A_144 = arith.constant 2 : i32
      %add3A_145 = arith.addi %mul3A_143, %add3A_144 : i32
      %dma_wait3A_146 = arith.constant 0 : i32
      %dma_wait3A_147 = arith.constant 0 : i32
      %dma_wait3A_148 = tpu.memref_slice %arg2[%dma_wait3A_146, %dma_wait3A_147] : memref<20480x128xf32, #tpu.memory_space<hbm>> -> memref<20480x128xf32, #tpu.memory_space<hbm>>
      tpu.wait_indirect_dma semaphore(%arg15 : memref<!tpu.dma_semaphore, #tpu.memory_space<semaphore_mem>>) src(%dma_wait3A_148 : memref<20480x128xf32, #tpu.memory_space<hbm>>) dst(%arg10 : memref<128x128xf32, #tpu.memory_space<vmem>>)
      %dma_start3A_149 = arith.constant 0 : i32
      %dma_start3A_150 = tpu.memref_slice %arg9[%add3A_145, %dma_start3A_149] : memref<80x128xi32, #tpu.memory_space<vmem>> -> memref<1x128xi32, #tpu.memory_space<vmem>>
      %dma_start3A_151 = tpu.memref_squeeze %dma_start3A_150 : memref<1x128xi32, #tpu.memory_space<vmem>> -> memref<128xi32, #tpu.memory_space<vmem>>
      %dma_start3A_152 = arith.constant 0 : i32
      %dma_start3A_153 = arith.constant 0 : i32
      %dma_start3A_154 = tpu.memref_slice %arg12[%dma_start3A_152, %dma_start3A_153] : memref<10240x128xf32, #tpu.memory_space<vmem_shared>> -> memref<10240x128xf32, #tpu.memory_space<vmem_shared>>
      tpu.enqueue_indirect_dma source(%arg10 : memref<128x128xf32, #tpu.memory_space<vmem>>) target(%dma_start3A_154 : memref<10240x128xf32, #tpu.memory_space<vmem_shared>>) offsets(%dma_start3A_151 : memref<128xi32, #tpu.memory_space<vmem>>) semaphore(%arg17 : memref<!tpu.dma_semaphore, #tpu.memory_space<semaphore_mem>>) {add = true}
      %add3A_155 = arith.constant 2 : i32
      %add3A_156 = arith.addi %add3A_145, %add3A_155 : i32
      %min3A_157 = arith.constant 79 : i32
      %min3A_158 = arith.minsi %add3A_156, %min3A_157 : i32
      %mul3A_159 = arith.constant 128 : i32
      %mul3A_160 = arith.muli %min3A_158, %mul3A_159 : i32
      %add3A_161 = arith.addi %mul3A_2, %mul3A_160 : i32
      %dma_start3A_162 = tpu.memref_slice %arg3[%add3A_161] : memref<327680xi32, #tpu.memory_space<hbm>> -> memref<128xi32, #tpu.memory_space<hbm>>
      %dma_start3A_163 = tpu.memref_slice %arg3[%add3A_161] : memref<327680xi32, #tpu.memory_space<hbm>> -> memref<128xi32, #tpu.memory_space<hbm>>
      tpu.enqueue_dma source(%dma_start3A_163 : memref<128xi32, #tpu.memory_space<hbm>>) target(%arg7 : memref<128xi32, #tpu.memory_space<vmem>>) target_semaphore(%arg13 : memref<!tpu.dma_semaphore, #tpu.memory_space<semaphore_mem>>)
      %dma_wait3A_164 = arith.constant 0 : i32
      %dma_wait3A_165 = arith.constant 0 : i32
      %dma_wait3A_166 = tpu.memref_slice %arg9[%dma_wait3A_164, %dma_wait3A_165] : memref<80x128xi32, #tpu.memory_space<vmem>> -> memref<1x128xi32, #tpu.memory_space<vmem>>
      %dma_wait3A_167 = tpu.memref_squeeze %dma_wait3A_166 : memref<1x128xi32, #tpu.memory_space<vmem>> -> memref<128xi32, #tpu.memory_space<vmem>>
      %dma_wait3A_168 = arith.constant 0 : i32
      %dma_wait3A_169 = arith.constant 0 : i32
      %dma_wait3A_170 = tpu.memref_slice %arg12[%dma_wait3A_168, %dma_wait3A_169] : memref<10240x128xf32, #tpu.memory_space<vmem_shared>> -> memref<10240x128xf32, #tpu.memory_space<vmem_shared>>
      tpu.wait_indirect_dma semaphore(%arg18 : memref<!tpu.dma_semaphore, #tpu.memory_space<semaphore_mem>>) src(%arg11 : memref<128x128xf32, #tpu.memory_space<vmem>>) dst(%dma_wait3A_170 : memref<10240x128xf32, #tpu.memory_space<vmem_shared>>)
      %dma_wait3A_171 = tpu.memref_slice %arg3[%mul3A_2] : memref<327680xi32, #tpu.memory_space<hbm>> -> memref<128xi32, #tpu.memory_space<hbm>>
      %dma_wait3A_172 = tpu.memref_slice %arg3[%mul3A_2] : memref<327680xi32, #tpu.memory_space<hbm>> -> memref<128xi32, #tpu.memory_space<hbm>>
      tpu.wait_dma2 semaphore(%arg14 : memref<!tpu.dma_semaphore, #tpu.memory_space<semaphore_mem>>) src(%dma_wait3A_172 : memref<128xi32, #tpu.memory_space<hbm>>) dst(%arg8 : memref<128xi32, #tpu.memory_space<vmem>>)
      %dma_start3A_173 = arith.constant 0 : i32
      %dma_start3A_174 = arith.constant 0 : i32
      %dma_start3A_175 = tpu.memref_slice %arg2[%dma_start3A_173, %dma_start3A_174] : memref<20480x128xf32, #tpu.memory_space<hbm>> -> memref<20480x128xf32, #tpu.memory_space<hbm>>
      tpu.enqueue_indirect_dma source(%dma_start3A_175 : memref<20480x128xf32, #tpu.memory_space<hbm>>) target(%arg11 : memref<128x128xf32, #tpu.memory_space<vmem>>) offsets(%arg8 : memref<128xi32, #tpu.memory_space<vmem>>) semaphore(%arg16 : memref<!tpu.dma_semaphore, #tpu.memory_space<semaphore_mem>>)
    }
    %scan3A_72 = arith.constant 39 : i32
    %dma_wait3A_73 = arith.constant 0 : i32
    %dma_wait3A_74 = arith.constant 0 : i32
    %dma_wait3A_75 = tpu.memref_slice %arg2[%dma_wait3A_73, %dma_wait3A_74] : memref<20480x128xf32, #tpu.memory_space<hbm>> -> memref<20480x128xf32, #tpu.memory_space<hbm>>
    tpu.wait_indirect_dma semaphore(%arg16 : memref<!tpu.dma_semaphore, #tpu.memory_space<semaphore_mem>>) src(%dma_wait3A_75 : memref<20480x128xf32, #tpu.memory_space<hbm>>) dst(%arg11 : memref<128x128xf32, #tpu.memory_space<vmem>>)
    %dma_start3A_76 = arith.constant 79 : i32
    %dma_start3A_77 = arith.constant 0 : i32
    %dma_start3A_78 = tpu.memref_slice %arg9[%dma_start3A_76, %dma_start3A_77] : memref<80x128xi32, #tpu.memory_space<vmem>> -> memref<1x128xi32, #tpu.memory_space<vmem>>
    %dma_start3A_79 = tpu.memref_squeeze %dma_start3A_78 : memref<1x128xi32, #tpu.memory_space<vmem>> -> memref<128xi32, #tpu.memory_space<vmem>>
    %dma_start3A_80 = arith.constant 0 : i32
    %dma_start3A_81 = arith.constant 0 : i32
    %dma_start3A_82 = tpu.memref_slice %arg12[%dma_start3A_80, %dma_start3A_81] : memref<10240x128xf32, #tpu.memory_space<vmem_shared>> -> memref<10240x128xf32, #tpu.memory_space<vmem_shared>>
    tpu.enqueue_indirect_dma source(%arg11 : memref<128x128xf32, #tpu.memory_space<vmem>>) target(%dma_start3A_82 : memref<10240x128xf32, #tpu.memory_space<vmem_shared>>) offsets(%dma_start3A_79 : memref<128xi32, #tpu.memory_space<vmem>>) semaphore(%arg18 : memref<!tpu.dma_semaphore, #tpu.memory_space<semaphore_mem>>) {add = true}
    %dma_wait3A_83 = arith.constant 0 : i32
    %dma_wait3A_84 = arith.constant 0 : i32
    %dma_wait3A_85 = tpu.memref_slice %arg9[%dma_wait3A_83, %dma_wait3A_84] : memref<80x128xi32, #tpu.memory_space<vmem>> -> memref<1x128xi32, #tpu.memory_space<vmem>>
    %dma_wait3A_86 = tpu.memref_squeeze %dma_wait3A_85 : memref<1x128xi32, #tpu.memory_space<vmem>> -> memref<128xi32, #tpu.memory_space<vmem>>
    %dma_wait3A_87 = arith.constant 0 : i32
    %dma_wait3A_88 = arith.constant 0 : i32
    %dma_wait3A_89 = tpu.memref_slice %arg12[%dma_wait3A_87, %dma_wait3A_88] : memref<10240x128xf32, #tpu.memory_space<vmem_shared>> -> memref<10240x128xf32, #tpu.memory_space<vmem_shared>>
    tpu.wait_indirect_dma semaphore(%arg17 : memref<!tpu.dma_semaphore, #tpu.memory_space<semaphore_mem>>) src(%arg10 : memref<128x128xf32, #tpu.memory_space<vmem>>) dst(%dma_wait3A_89 : memref<10240x128xf32, #tpu.memory_space<vmem_shared>>)
    %dma_wait3A_90 = arith.constant 0 : i32
    %dma_wait3A_91 = arith.constant 0 : i32
    %dma_wait3A_92 = tpu.memref_slice %arg9[%dma_wait3A_90, %dma_wait3A_91] : memref<80x128xi32, #tpu.memory_space<vmem>> -> memref<1x128xi32, #tpu.memory_space<vmem>>
    %dma_wait3A_93 = tpu.memref_squeeze %dma_wait3A_92 : memref<1x128xi32, #tpu.memory_space<vmem>> -> memref<128xi32, #tpu.memory_space<vmem>>
    %dma_wait3A_94 = arith.constant 0 : i32
    %dma_wait3A_95 = arith.constant 0 : i32
    %dma_wait3A_96 = tpu.memref_slice %arg12[%dma_wait3A_94, %dma_wait3A_95] : memref<10240x128xf32, #tpu.memory_space<vmem_shared>> -> memref<10240x128xf32, #tpu.memory_space<vmem_shared>>
    tpu.wait_indirect_dma semaphore(%arg18 : memref<!tpu.dma_semaphore, #tpu.memory_space<semaphore_mem>>) src(%arg11 : memref<128x128xf32, #tpu.memory_space<vmem>>) dst(%dma_wait3A_96 : memref<10240x128xf32, #tpu.memory_space<vmem_shared>>)
    %dma_wait3A_97 = tpu.memref_slice %arg3[%mul3A_2] : memref<327680xi32, #tpu.memory_space<hbm>> -> memref<128xi32, #tpu.memory_space<hbm>>
    %dma_wait3A_98 = tpu.memref_slice %arg3[%mul3A_2] : memref<327680xi32, #tpu.memory_space<hbm>> -> memref<128xi32, #tpu.memory_space<hbm>>
    tpu.wait_dma2 semaphore(%arg13 : memref<!tpu.dma_semaphore, #tpu.memory_space<semaphore_mem>>) src(%dma_wait3A_98 : memref<128xi32, #tpu.memory_space<hbm>>) dst(%arg7 : memref<128xi32, #tpu.memory_space<vmem>>)
    %barrier3A_99 = arith.constant 0 : index
    tpu.barrier barrier_id(%barrier3A_99)
    %mul3A_100 = arith.constant 640 : i32
    %mul3A_101 = arith.muli %arg1, %mul3A_100 : i32
    %mul3A_102 = arith.constant 10240 : i32
    %mul3A_103 = arith.muli %arg0, %mul3A_102 : i32
    %mul3A_104 = arith.constant 640 : i32
    %mul3A_105 = arith.muli %arg1, %mul3A_104 : i32
    %add3A_106 = arith.addi %mul3A_103, %mul3A_105 : i32
    "tpu.region"() ({
      %run_scoped3A = tpu.sem_alloc : memref<!tpu.dma_semaphore, #tpu.memory_space<semaphore_mem>>
      %dma_start3A_107 = arith.constant 0 : i32
      %dma_start3A_108 = tpu.memref_slice %arg6[%add3A_106, %dma_start3A_107] : memref<20480x128xf32, #tpu.memory_space<hbm>> -> memref<640x128xf32, #tpu.memory_space<hbm>>
      %dma_start3A_109 = arith.constant 0 : i32
      %dma_start3A_110 = tpu.memref_slice %arg12[%mul3A_101, %dma_start3A_109] : memref<10240x128xf32, #tpu.memory_space<vmem_shared>> -> memref<640x128xf32, #tpu.memory_space<vmem_shared>>
      tpu.enqueue_dma source(%dma_start3A_110 : memref<640x128xf32, #tpu.memory_space<vmem_shared>>) target(%dma_start3A_108 : memref<640x128xf32, #tpu.memory_space<hbm>>) target_semaphore(%run_scoped3A : memref<!tpu.dma_semaphore, #tpu.memory_space<semaphore_mem>>)
      %dma_wait3A_111 = arith.constant 0 : i32
      %dma_wait3A_112 = tpu.memref_slice %arg6[%add3A_106, %dma_wait3A_111] : memref<20480x128xf32, #tpu.memory_space<hbm>> -> memref<640x128xf32, #tpu.memory_space<hbm>>
      %dma_wait3A_113 = arith.constant 0 : i32
      %dma_wait3A_114 = tpu.memref_slice %arg12[%mul3A_101, %dma_wait3A_113] : memref<10240x128xf32, #tpu.memory_space<vmem_shared>> -> memref<640x128xf32, #tpu.memory_space<vmem_shared>>
      tpu.wait_dma2 semaphore(%run_scoped3A : memref<!tpu.dma_semaphore, #tpu.memory_space<semaphore_mem>>) src(%dma_wait3A_114 : memref<640x128xf32, #tpu.memory_space<vmem_shared>>) dst(%dma_wait3A_112 : memref<640x128xf32, #tpu.memory_space<hbm>>)
      tpu.yield
    }) : () -> ()
    return
  }
}

#map = affine_map<(d0, d1) -> (0, 0)>
#map1 = affine_map<(d0, d1) -> (0)>
#map2 = affine_map<(d0, d1) -> (0, 0, 0)>
module attributes {stable_mosaic.version = 14 : i64} {
  func.func @_segsum_kernel(%arg0: i32, %arg1: i32, %arg2: memref<20480x128xf32, #tpu.memory_space<hbm>>, %arg3: memref<327680xi32, #tpu.memory_space<hbm>>, %arg4: memref<16x80x128xi32, #tpu.memory_space<hbm>>, %arg5: memref<640x128xf32, #tpu.memory_space<hbm>>, %arg6: memref<20480x128xf32, #tpu.memory_space<hbm>>, %arg7: memref<128xi32, #tpu.memory_space<vmem>>, %arg8: memref<128xi32, #tpu.memory_space<vmem>>, %arg9: memref<80x128xi32, #tpu.memory_space<vmem>>, %arg10: memref<128x128xf32, #tpu.memory_space<vmem>>, %arg11: memref<128x128xf32, #tpu.memory_space<vmem>>, %arg12: memref<10240x128xf32, #tpu.memory_space<vmem_shared>>, %arg13: memref<!tpu.dma_semaphore, #tpu.memory_space<semaphore_mem>>, %arg14: memref<!tpu.dma_semaphore, #tpu.memory_space<semaphore_mem>>, %arg15: memref<!tpu.dma_semaphore, #tpu.memory_space<semaphore_mem>>, %arg16: memref<!tpu.dma_semaphore, #tpu.memory_space<semaphore_mem>>, %arg17: memref<!tpu.dma_semaphore, #tpu.memory_space<semaphore_mem>>, %arg18: memref<!tpu.dma_semaphore, #tpu.memory_space<semaphore_mem>>) attributes {dimension_semantics = [#tpu.dimension_semantics<core_parallel>, #tpu.dimension_semantics<subcore_parallel>], iteration_bounds = array<i64: 2, 16>, scalar_prefetch = 0 : i64, scratch_operands = 12 : i64, tpu.core_type = #tpu.core_type<sc_vector_subcore>, window_params = [{transform_indices = #map}, {transform_indices = #map1}, {transform_indices = #map2}, {transform_indices = #map}, {transform_indices = #map}]} {
    %mul3A = arith.constant 16 : i32
    %mul3A_0 = arith.muli %arg0, %mul3A : i32
    %add3A = arith.addi %mul3A_0, %arg1 : i32
    %mul3A_1 = arith.constant 10240 : i32
    %mul3A_2 = arith.muli %add3A, %mul3A_1 : i32
    %dma_start3A = arith.constant 0 : i32
    %dma_start3A_3 = arith.constant 0 : i32
    %dma_start3A_4 = tpu.memref_slice %arg4[%arg1, %dma_start3A, %dma_start3A_3] : memref<16x80x128xi32, #tpu.memory_space<hbm>> -> memref<1x80x128xi32, #tpu.memory_space<hbm>>
    %dma_start3A_5 = tpu.memref_squeeze %dma_start3A_4 : memref<1x80x128xi32, #tpu.memory_space<hbm>> -> memref<80x128xi32, #tpu.memory_space<hbm>>
    %dma_start3A_6 = arith.constant 0 : i32
    %dma_start3A_7 = arith.constant 0 : i32
    %dma_start3A_8 = tpu.memref_slice %arg4[%arg1, %dma_start3A_6, %dma_start3A_7] : memref<16x80x128xi32, #tpu.memory_space<hbm>> -> memref<1x80x128xi32, #tpu.memory_space<hbm>>
    %dma_start3A_9 = tpu.memref_squeeze %dma_start3A_8 : memref<1x80x128xi32, #tpu.memory_space<hbm>> -> memref<80x128xi32, #tpu.memory_space<hbm>>
    tpu.enqueue_dma source(%dma_start3A_9 : memref<80x128xi32, #tpu.memory_space<hbm>>) target(%arg9 : memref<80x128xi32, #tpu.memory_space<vmem>>) target_semaphore(%arg13 : memref<!tpu.dma_semaphore, #tpu.memory_space<semaphore_mem>>)
    %mul3A_10 = arith.constant 640 : i32
    %mul3A_11 = arith.muli %arg1, %mul3A_10 : i32
    %dma_start3A_12 = arith.constant 0 : i32
    %dma_start3A_13 = tpu.memref_slice %arg12[%mul3A_11, %dma_start3A_12] : memref<10240x128xf32, #tpu.memory_space<vmem_shared>> -> memref<640x128xf32, #tpu.memory_space<vmem_shared>>
    tpu.enqueue_dma source(%arg5 : memref<640x128xf32, #tpu.memory_space<hbm>>) target(%dma_start3A_13 : memref<640x128xf32, #tpu.memory_space<vmem_shared>>) target_semaphore(%arg17 : memref<!tpu.dma_semaphore, #tpu.memory_space<semaphore_mem>>)
    %dma_wait3A = arith.constant 0 : i32
    %dma_wait3A_14 = arith.constant 0 : i32
    %dma_wait3A_15 = tpu.memref_slice %arg4[%arg1, %dma_wait3A, %dma_wait3A_14] : memref<16x80x128xi32, #tpu.memory_space<hbm>> -> memref<1x80x128xi32, #tpu.memory_space<hbm>>
    %dma_wait3A_16 = tpu.memref_squeeze %dma_wait3A_15 : memref<1x80x128xi32, #tpu.memory_space<hbm>> -> memref<80x128xi32, #tpu.memory_space<hbm>>
    %dma_wait3A_17 = arith.constant 0 : i32
    %dma_wait3A_18 = arith.constant 0 : i32
    %dma_wait3A_19 = tpu.memref_slice %arg4[%arg1, %dma_wait3A_17, %dma_wait3A_18] : memref<16x80x128xi32, #tpu.memory_space<hbm>> -> memref<1x80x128xi32, #tpu.memory_space<hbm>>
    %dma_wait3A_20 = tpu.memref_squeeze %dma_wait3A_19 : memref<1x80x128xi32, #tpu.memory_space<hbm>> -> memref<80x128xi32, #tpu.memory_space<hbm>>
    tpu.wait_dma2 semaphore(%arg13 : memref<!tpu.dma_semaphore, #tpu.memory_space<semaphore_mem>>) src(%dma_wait3A_20 : memref<80x128xi32, #tpu.memory_space<hbm>>) dst(%arg9 : memref<80x128xi32, #tpu.memory_space<vmem>>)
    %mul3A_21 = arith.constant 640 : i32
    %mul3A_22 = arith.muli %arg1, %mul3A_21 : i32
    %dma_wait3A_23 = arith.constant 0 : i32
    %dma_wait3A_24 = tpu.memref_slice %arg12[%mul3A_22, %dma_wait3A_23] : memref<10240x128xf32, #tpu.memory_space<vmem_shared>> -> memref<640x128xf32, #tpu.memory_space<vmem_shared>>
    tpu.wait_dma2 semaphore(%arg17 : memref<!tpu.dma_semaphore, #tpu.memory_space<semaphore_mem>>) src(%arg5 : memref<640x128xf32, #tpu.memory_space<hbm>>) dst(%dma_wait3A_24 : memref<640x128xf32, #tpu.memory_space<vmem_shared>>)
    %barrier3A = arith.constant 0 : index
    tpu.barrier barrier_id(%barrier3A)
    %min3A = arith.constant 0 : i32
    %min3A_25 = arith.constant 79 : i32
    %min3A_26 = arith.minsi %min3A, %min3A_25 : i32
    %mul3A_27 = arith.constant 128 : i32
    %mul3A_28 = arith.muli %min3A_26, %mul3A_27 : i32
    %add3A_29 = arith.addi %mul3A_2, %mul3A_28 : i32
    %dma_start3A_30 = tpu.memref_slice %arg3[%add3A_29] : memref<327680xi32, #tpu.memory_space<hbm>> -> memref<128xi32, #tpu.memory_space<hbm>>
    %dma_start3A_31 = tpu.memref_slice %arg3[%add3A_29] : memref<327680xi32, #tpu.memory_space<hbm>> -> memref<128xi32, #tpu.memory_space<hbm>>
    tpu.enqueue_dma source(%dma_start3A_31 : memref<128xi32, #tpu.memory_space<hbm>>) target(%arg7 : memref<128xi32, #tpu.memory_space<vmem>>) target_semaphore(%arg13 : memref<!tpu.dma_semaphore, #tpu.memory_space<semaphore_mem>>)
    %min3A_32 = arith.constant 1 : i32
    %min3A_33 = arith.constant 79 : i32
    %min3A_34 = arith.minsi %min3A_32, %min3A_33 : i32
    %mul3A_35 = arith.constant 128 : i32
    %mul3A_36 = arith.muli %min3A_34, %mul3A_35 : i32
    %add3A_37 = arith.addi %mul3A_2, %mul3A_36 : i32
    %dma_start3A_38 = tpu.memref_slice %arg3[%add3A_37] : memref<327680xi32, #tpu.memory_space<hbm>> -> memref<128xi32, #tpu.memory_space<hbm>>
    %dma_start3A_39 = tpu.memref_slice %arg3[%add3A_37] : memref<327680xi32, #tpu.memory_space<hbm>> -> memref<128xi32, #tpu.memory_space<hbm>>
    tpu.enqueue_dma source(%dma_start3A_39 : memref<128xi32, #tpu.memory_space<hbm>>) target(%arg8 : memref<128xi32, #tpu.memory_space<vmem>>) target_semaphore(%arg14 : memref<!tpu.dma_semaphore, #tpu.memory_space<semaphore_mem>>)
    %dma_wait3A_40 = tpu.memref_slice %arg3[%mul3A_2] : memref<327680xi32, #tpu.memory_space<hbm>> -> memref<128xi32, #tpu.memory_space<hbm>>
    %dma_wait3A_41 = tpu.memref_slice %arg3[%mul3A_2] : memref<327680xi32, #tpu.memory_space<hbm>> -> memref<128xi32, #tpu.memory_space<hbm>>
    tpu.wait_dma2 semaphore(%arg13 : memref<!tpu.dma_semaphore, #tpu.memory_space<semaphore_mem>>) src(%dma_wait3A_41 : memref<128xi32, #tpu.memory_space<hbm>>) dst(%arg7 : memref<128xi32, #tpu.memory_space<vmem>>)
    %dma_start3A_42 = arith.constant 0 : i32
    %dma_start3A_43 = arith.constant 0 : i32
    %dma_start3A_44 = tpu.memref_slice %arg2[%dma_start3A_42, %dma_start3A_43] : memref<20480x128xf32, #tpu.memory_space<hbm>> -> memref<20480x128xf32, #tpu.memory_space<hbm>>
    tpu.enqueue_indirect_dma source(%dma_start3A_44 : memref<20480x128xf32, #tpu.memory_space<hbm>>) target(%arg10 : memref<128x128xf32, #tpu.memory_space<vmem>>) offsets(%arg7 : memref<128xi32, #tpu.memory_space<vmem>>) semaphore(%arg15 : memref<!tpu.dma_semaphore, #tpu.memory_space<semaphore_mem>>)
    %dma_wait3A_45 = arith.constant 0 : i32
    %dma_wait3A_46 = arith.constant 0 : i32
    %dma_wait3A_47 = tpu.memref_slice %arg2[%dma_wait3A_45, %dma_wait3A_46] : memref<20480x128xf32, #tpu.memory_space<hbm>> -> memref<20480x128xf32, #tpu.memory_space<hbm>>
    tpu.wait_indirect_dma semaphore(%arg15 : memref<!tpu.dma_semaphore, #tpu.memory_space<semaphore_mem>>) src(%dma_wait3A_47 : memref<20480x128xf32, #tpu.memory_space<hbm>>) dst(%arg10 : memref<128x128xf32, #tpu.memory_space<vmem>>)
    %dma_start3A_48 = arith.constant 0 : i32
    %dma_start3A_49 = arith.constant 0 : i32
    %dma_start3A_50 = tpu.memref_slice %arg9[%dma_start3A_48, %dma_start3A_49] : memref<80x128xi32, #tpu.memory_space<vmem>> -> memref<1x128xi32, #tpu.memory_space<vmem>>
    %dma_start3A_51 = tpu.memref_squeeze %dma_start3A_50 : memref<1x128xi32, #tpu.memory_space<vmem>> -> memref<128xi32, #tpu.memory_space<vmem>>
    %dma_start3A_52 = arith.constant 0 : i32
    %dma_start3A_53 = arith.constant 0 : i32
    %dma_start3A_54 = tpu.memref_slice %arg12[%dma_start3A_52, %dma_start3A_53] : memref<10240x128xf32, #tpu.memory_space<vmem_shared>> -> memref<10240x128xf32, #tpu.memory_space<vmem_shared>>
    tpu.enqueue_indirect_dma source(%arg10 : memref<128x128xf32, #tpu.memory_space<vmem>>) target(%dma_start3A_54 : memref<10240x128xf32, #tpu.memory_space<vmem_shared>>) offsets(%dma_start3A_51 : memref<128xi32, #tpu.memory_space<vmem>>) semaphore(%arg17 : memref<!tpu.dma_semaphore, #tpu.memory_space<semaphore_mem>>) {add = true}
    %min3A_55 = arith.constant 2 : i32
    %min3A_56 = arith.constant 79 : i32
    %min3A_57 = arith.minsi %min3A_55, %min3A_56 : i32
    %mul3A_58 = arith.constant 128 : i32
    %mul3A_59 = arith.muli %min3A_57, %mul3A_58 : i32
    %add3A_60 = arith.addi %mul3A_2, %mul3A_59 : i32
    %dma_start3A_61 = tpu.memref_slice %arg3[%add3A_60] : memref<327680xi32, #tpu.memory_space<hbm>> -> memref<128xi32, #tpu.memory_space<hbm>>
    %dma_start3A_62 = tpu.memref_slice %arg3[%add3A_60] : memref<327680xi32, #tpu.memory_space<hbm>> -> memref<128xi32, #tpu.memory_space<hbm>>
    tpu.enqueue_dma source(%dma_start3A_62 : memref<128xi32, #tpu.memory_space<hbm>>) target(%arg7 : memref<128xi32, #tpu.memory_space<vmem>>) target_semaphore(%arg13 : memref<!tpu.dma_semaphore, #tpu.memory_space<semaphore_mem>>)
    %dma_wait3A_63 = tpu.memref_slice %arg3[%mul3A_2] : memref<327680xi32, #tpu.memory_space<hbm>> -> memref<128xi32, #tpu.memory_space<hbm>>
    %dma_wait3A_64 = tpu.memref_slice %arg3[%mul3A_2] : memref<327680xi32, #tpu.memory_space<hbm>> -> memref<128xi32, #tpu.memory_space<hbm>>
    tpu.wait_dma2 semaphore(%arg14 : memref<!tpu.dma_semaphore, #tpu.memory_space<semaphore_mem>>) src(%dma_wait3A_64 : memref<128xi32, #tpu.memory_space<hbm>>) dst(%arg8 : memref<128xi32, #tpu.memory_space<vmem>>)
    %dma_start3A_65 = arith.constant 0 : i32
    %dma_start3A_66 = arith.constant 0 : i32
    %dma_start3A_67 = tpu.memref_slice %arg2[%dma_start3A_65, %dma_start3A_66] : memref<20480x128xf32, #tpu.memory_space<hbm>> -> memref<20480x128xf32, #tpu.memory_space<hbm>>
    tpu.enqueue_indirect_dma source(%dma_start3A_67 : memref<20480x128xf32, #tpu.memory_space<hbm>>) target(%arg11 : memref<128x128xf32, #tpu.memory_space<vmem>>) offsets(%arg8 : memref<128xi32, #tpu.memory_space<vmem>>) semaphore(%arg16 : memref<!tpu.dma_semaphore, #tpu.memory_space<semaphore_mem>>)
    %scan3A = arith.constant 0 : i32
    %scan3A_68 = arith.constant 0 : i32
    %scan3A_69 = arith.constant 39 : i32
    %scan3A_70 = arith.addi %scan3A_68, %scan3A_69 : i32
    %scan3A_71 = arith.constant 1 : i32
    scf.for %scan3A_107 = %scan3A_68 to %scan3A_70 step %scan3A_71  : i32 {
      %mul3A_108 = arith.constant 2 : i32
      %mul3A_109 = arith.muli %mul3A_108, %scan3A_107 : i32
      %add3A_110 = arith.constant 1 : i32
      %add3A_111 = arith.addi %mul3A_109, %add3A_110 : i32
      %dma_wait3A_112 = arith.constant 0 : i32
      %dma_wait3A_113 = arith.constant 0 : i32
      %dma_wait3A_114 = tpu.memref_slice %arg2[%dma_wait3A_112, %dma_wait3A_113] : memref<20480x128xf32, #tpu.memory_space<hbm>> -> memref<20480x128xf32, #tpu.memory_space<hbm>>
      tpu.wait_indirect_dma semaphore(%arg16 : memref<!tpu.dma_semaphore, #tpu.memory_space<semaphore_mem>>) src(%dma_wait3A_114 : memref<20480x128xf32, #tpu.memory_space<hbm>>) dst(%arg11 : memref<128x128xf32, #tpu.memory_space<vmem>>)
      %dma_start3A_115 = arith.constant 0 : i32
      %dma_start3A_116 = tpu.memref_slice %arg9[%add3A_111, %dma_start3A_115] : memref<80x128xi32, #tpu.memory_space<vmem>> -> memref<1x128xi32, #tpu.memory_space<vmem>>
      %dma_start3A_117 = tpu.memref_squeeze %dma_start3A_116 : memref<1x128xi32, #tpu.memory_space<vmem>> -> memref<128xi32, #tpu.memory_space<vmem>>
      %dma_start3A_118 = arith.constant 0 : i32
      %dma_start3A_119 = arith.constant 0 : i32
      %dma_start3A_120 = tpu.memref_slice %arg12[%dma_start3A_118, %dma_start3A_119] : memref<10240x128xf32, #tpu.memory_space<vmem_shared>> -> memref<10240x128xf32, #tpu.memory_space<vmem_shared>>
      tpu.enqueue_indirect_dma source(%arg11 : memref<128x128xf32, #tpu.memory_space<vmem>>) target(%dma_start3A_120 : memref<10240x128xf32, #tpu.memory_space<vmem_shared>>) offsets(%dma_start3A_117 : memref<128xi32, #tpu.memory_space<vmem>>) semaphore(%arg18 : memref<!tpu.dma_semaphore, #tpu.memory_space<semaphore_mem>>) {add = true}
      %add3A_121 = arith.constant 2 : i32
      %add3A_122 = arith.addi %add3A_111, %add3A_121 : i32
      %min3A_123 = arith.constant 79 : i32
      %min3A_124 = arith.minsi %add3A_122, %min3A_123 : i32
      %mul3A_125 = arith.constant 128 : i32
      %mul3A_126 = arith.muli %min3A_124, %mul3A_125 : i32
      %add3A_127 = arith.addi %mul3A_2, %mul3A_126 : i32
      %dma_start3A_128 = tpu.memref_slice %arg3[%add3A_127] : memref<327680xi32, #tpu.memory_space<hbm>> -> memref<128xi32, #tpu.memory_space<hbm>>
      %dma_start3A_129 = tpu.memref_slice %arg3[%add3A_127] : memref<327680xi32, #tpu.memory_space<hbm>> -> memref<128xi32, #tpu.memory_space<hbm>>
      tpu.enqueue_dma source(%dma_start3A_129 : memref<128xi32, #tpu.memory_space<hbm>>) target(%arg8 : memref<128xi32, #tpu.memory_space<vmem>>) target_semaphore(%arg14 : memref<!tpu.dma_semaphore, #tpu.memory_space<semaphore_mem>>)
      %dma_wait3A_130 = arith.constant 0 : i32
      %dma_wait3A_131 = arith.constant 0 : i32
      %dma_wait3A_132 = tpu.memref_slice %arg9[%dma_wait3A_130, %dma_wait3A_131] : memref<80x128xi32, #tpu.memory_space<vmem>> -> memref<1x128xi32, #tpu.memory_space<vmem>>
      %dma_wait3A_133 = tpu.memref_squeeze %dma_wait3A_132 : memref<1x128xi32, #tpu.memory_space<vmem>> -> memref<128xi32, #tpu.memory_space<vmem>>
      %dma_wait3A_134 = arith.constant 0 : i32
      %dma_wait3A_135 = arith.constant 0 : i32
      %dma_wait3A_136 = tpu.memref_slice %arg12[%dma_wait3A_134, %dma_wait3A_135] : memref<10240x128xf32, #tpu.memory_space<vmem_shared>> -> memref<10240x128xf32, #tpu.memory_space<vmem_shared>>
      tpu.wait_indirect_dma semaphore(%arg17 : memref<!tpu.dma_semaphore, #tpu.memory_space<semaphore_mem>>) src(%arg10 : memref<128x128xf32, #tpu.memory_space<vmem>>) dst(%dma_wait3A_136 : memref<10240x128xf32, #tpu.memory_space<vmem_shared>>)
      %dma_wait3A_137 = tpu.memref_slice %arg3[%mul3A_2] : memref<327680xi32, #tpu.memory_space<hbm>> -> memref<128xi32, #tpu.memory_space<hbm>>
      %dma_wait3A_138 = tpu.memref_slice %arg3[%mul3A_2] : memref<327680xi32, #tpu.memory_space<hbm>> -> memref<128xi32, #tpu.memory_space<hbm>>
      tpu.wait_dma2 semaphore(%arg13 : memref<!tpu.dma_semaphore, #tpu.memory_space<semaphore_mem>>) src(%dma_wait3A_138 : memref<128xi32, #tpu.memory_space<hbm>>) dst(%arg7 : memref<128xi32, #tpu.memory_space<vmem>>)
      %dma_start3A_139 = arith.constant 0 : i32
      %dma_start3A_140 = arith.constant 0 : i32
      %dma_start3A_141 = tpu.memref_slice %arg2[%dma_start3A_139, %dma_start3A_140] : memref<20480x128xf32, #tpu.memory_space<hbm>> -> memref<20480x128xf32, #tpu.memory_space<hbm>>
      tpu.enqueue_indirect_dma source(%dma_start3A_141 : memref<20480x128xf32, #tpu.memory_space<hbm>>) target(%arg10 : memref<128x128xf32, #tpu.memory_space<vmem>>) offsets(%arg7 : memref<128xi32, #tpu.memory_space<vmem>>) semaphore(%arg15 : memref<!tpu.dma_semaphore, #tpu.memory_space<semaphore_mem>>)
      %mul3A_142 = arith.constant 2 : i32
      %mul3A_143 = arith.muli %mul3A_142, %scan3A_107 : i32
      %add3A_144 = arith.constant 2 : i32
      %add3A_145 = arith.addi %mul3A_143, %add3A_144 : i32
      %dma_wait3A_146 = arith.constant 0 : i32
      %dma_wait3A_147 = arith.constant 0 : i32
      %dma_wait3A_148 = tpu.memref_slice %arg2[%dma_wait3A_146, %dma_wait3A_147] : memref<20480x128xf32, #tpu.memory_space<hbm>> -> memref<20480x128xf32, #tpu.memory_space<hbm>>
      tpu.wait_indirect_dma semaphore(%arg15 : memref<!tpu.dma_semaphore, #tpu.memory_space<semaphore_mem>>) src(%dma_wait3A_148 : memref<20480x128xf32, #tpu.memory_space<hbm>>) dst(%arg10 : memref<128x128xf32, #tpu.memory_space<vmem>>)
      %dma_start3A_149 = arith.constant 0 : i32
      %dma_start3A_150 = tpu.memref_slice %arg9[%add3A_145, %dma_start3A_149] : memref<80x128xi32, #tpu.memory_space<vmem>> -> memref<1x128xi32, #tpu.memory_space<vmem>>
      %dma_start3A_151 = tpu.memref_squeeze %dma_start3A_150 : memref<1x128xi32, #tpu.memory_space<vmem>> -> memref<128xi32, #tpu.memory_space<vmem>>
      %dma_start3A_152 = arith.constant 0 : i32
      %dma_start3A_153 = arith.constant 0 : i32
      %dma_start3A_154 = tpu.memref_slice %arg12[%dma_start3A_152, %dma_start3A_153] : memref<10240x128xf32, #tpu.memory_space<vmem_shared>> -> memref<10240x128xf32, #tpu.memory_space<vmem_shared>>
      tpu.enqueue_indirect_dma source(%arg10 : memref<128x128xf32, #tpu.memory_space<vmem>>) target(%dma_start3A_154 : memref<10240x128xf32, #tpu.memory_space<vmem_shared>>) offsets(%dma_start3A_151 : memref<128xi32, #tpu.memory_space<vmem>>) semaphore(%arg17 : memref<!tpu.dma_semaphore, #tpu.memory_space<semaphore_mem>>) {add = true}
      %add3A_155 = arith.constant 2 : i32
      %add3A_156 = arith.addi %add3A_145, %add3A_155 : i32
      %min3A_157 = arith.constant 79 : i32
      %min3A_158 = arith.minsi %add3A_156, %min3A_157 : i32
      %mul3A_159 = arith.constant 128 : i32
      %mul3A_160 = arith.muli %min3A_158, %mul3A_159 : i32
      %add3A_161 = arith.addi %mul3A_2, %mul3A_160 : i32
      %dma_start3A_162 = tpu.memref_slice %arg3[%add3A_161] : memref<327680xi32, #tpu.memory_space<hbm>> -> memref<128xi32, #tpu.memory_space<hbm>>
      %dma_start3A_163 = tpu.memref_slice %arg3[%add3A_161] : memref<327680xi32, #tpu.memory_space<hbm>> -> memref<128xi32, #tpu.memory_space<hbm>>
      tpu.enqueue_dma source(%dma_start3A_163 : memref<128xi32, #tpu.memory_space<hbm>>) target(%arg7 : memref<128xi32, #tpu.memory_space<vmem>>) target_semaphore(%arg13 : memref<!tpu.dma_semaphore, #tpu.memory_space<semaphore_mem>>)
      %dma_wait3A_164 = arith.constant 0 : i32
      %dma_wait3A_165 = arith.constant 0 : i32
      %dma_wait3A_166 = tpu.memref_slice %arg9[%dma_wait3A_164, %dma_wait3A_165] : memref<80x128xi32, #tpu.memory_space<vmem>> -> memref<1x128xi32, #tpu.memory_space<vmem>>
      %dma_wait3A_167 = tpu.memref_squeeze %dma_wait3A_166 : memref<1x128xi32, #tpu.memory_space<vmem>> -> memref<128xi32, #tpu.memory_space<vmem>>
      %dma_wait3A_168 = arith.constant 0 : i32
      %dma_wait3A_169 = arith.constant 0 : i32
      %dma_wait3A_170 = tpu.memref_slice %arg12[%dma_wait3A_168, %dma_wait3A_169] : memref<10240x128xf32, #tpu.memory_space<vmem_shared>> -> memref<10240x128xf32, #tpu.memory_space<vmem_shared>>
      tpu.wait_indirect_dma semaphore(%arg18 : memref<!tpu.dma_semaphore, #tpu.memory_space<semaphore_mem>>) src(%arg11 : memref<128x128xf32, #tpu.memory_space<vmem>>) dst(%dma_wait3A_170 : memref<10240x128xf32, #tpu.memory_space<vmem_shared>>)
      %dma_wait3A_171 = tpu.memref_slice %arg3[%mul3A_2] : memref<327680xi32, #tpu.memory_space<hbm>> -> memref<128xi32, #tpu.memory_space<hbm>>
      %dma_wait3A_172 = tpu.memref_slice %arg3[%mul3A_2] : memref<327680xi32, #tpu.memory_space<hbm>> -> memref<128xi32, #tpu.memory_space<hbm>>
      tpu.wait_dma2 semaphore(%arg14 : memref<!tpu.dma_semaphore, #tpu.memory_space<semaphore_mem>>) src(%dma_wait3A_172 : memref<128xi32, #tpu.memory_space<hbm>>) dst(%arg8 : memref<128xi32, #tpu.memory_space<vmem>>)
      %dma_start3A_173 = arith.constant 0 : i32
      %dma_start3A_174 = arith.constant 0 : i32
      %dma_start3A_175 = tpu.memref_slice %arg2[%dma_start3A_173, %dma_start3A_174] : memref<20480x128xf32, #tpu.memory_space<hbm>> -> memref<20480x128xf32, #tpu.memory_space<hbm>>
      tpu.enqueue_indirect_dma source(%dma_start3A_175 : memref<20480x128xf32, #tpu.memory_space<hbm>>) target(%arg11 : memref<128x128xf32, #tpu.memory_space<vmem>>) offsets(%arg8 : memref<128xi32, #tpu.memory_space<vmem>>) semaphore(%arg16 : memref<!tpu.dma_semaphore, #tpu.memory_space<semaphore_mem>>)
    }
    %scan3A_72 = arith.constant 39 : i32
    %dma_wait3A_73 = arith.constant 0 : i32
    %dma_wait3A_74 = arith.constant 0 : i32
    %dma_wait3A_75 = tpu.memref_slice %arg2[%dma_wait3A_73, %dma_wait3A_74] : memref<20480x128xf32, #tpu.memory_space<hbm>> -> memref<20480x128xf32, #tpu.memory_space<hbm>>
    tpu.wait_indirect_dma semaphore(%arg16 : memref<!tpu.dma_semaphore, #tpu.memory_space<semaphore_mem>>) src(%dma_wait3A_75 : memref<20480x128xf32, #tpu.memory_space<hbm>>) dst(%arg11 : memref<128x128xf32, #tpu.memory_space<vmem>>)
    %dma_start3A_76 = arith.constant 79 : i32
    %dma_start3A_77 = arith.constant 0 : i32
    %dma_start3A_78 = tpu.memref_slice %arg9[%dma_start3A_76, %dma_start3A_77] : memref<80x128xi32, #tpu.memory_space<vmem>> -> memref<1x128xi32, #tpu.memory_space<vmem>>
    %dma_start3A_79 = tpu.memref_squeeze %dma_start3A_78 : memref<1x128xi32, #tpu.memory_space<vmem>> -> memref<128xi32, #tpu.memory_space<vmem>>
    %dma_start3A_80 = arith.constant 0 : i32
    %dma_start3A_81 = arith.constant 0 : i32
    %dma_start3A_82 = tpu.memref_slice %arg12[%dma_start3A_80, %dma_start3A_81] : memref<10240x128xf32, #tpu.memory_space<vmem_shared>> -> memref<10240x128xf32, #tpu.memory_space<vmem_shared>>
    tpu.enqueue_indirect_dma source(%arg11 : memref<128x128xf32, #tpu.memory_space<vmem>>) target(%dma_start3A_82 : memref<10240x128xf32, #tpu.memory_space<vmem_shared>>) offsets(%dma_start3A_79 : memref<128xi32, #tpu.memory_space<vmem>>) semaphore(%arg18 : memref<!tpu.dma_semaphore, #tpu.memory_space<semaphore_mem>>) {add = true}
    %dma_wait3A_83 = arith.constant 0 : i32
    %dma_wait3A_84 = arith.constant 0 : i32
    %dma_wait3A_85 = tpu.memref_slice %arg9[%dma_wait3A_83, %dma_wait3A_84] : memref<80x128xi32, #tpu.memory_space<vmem>> -> memref<1x128xi32, #tpu.memory_space<vmem>>
    %dma_wait3A_86 = tpu.memref_squeeze %dma_wait3A_85 : memref<1x128xi32, #tpu.memory_space<vmem>> -> memref<128xi32, #tpu.memory_space<vmem>>
    %dma_wait3A_87 = arith.constant 0 : i32
    %dma_wait3A_88 = arith.constant 0 : i32
    %dma_wait3A_89 = tpu.memref_slice %arg12[%dma_wait3A_87, %dma_wait3A_88] : memref<10240x128xf32, #tpu.memory_space<vmem_shared>> -> memref<10240x128xf32, #tpu.memory_space<vmem_shared>>
    tpu.wait_indirect_dma semaphore(%arg17 : memref<!tpu.dma_semaphore, #tpu.memory_space<semaphore_mem>>) src(%arg10 : memref<128x128xf32, #tpu.memory_space<vmem>>) dst(%dma_wait3A_89 : memref<10240x128xf32, #tpu.memory_space<vmem_shared>>)
    %dma_wait3A_90 = arith.constant 0 : i32
    %dma_wait3A_91 = arith.constant 0 : i32
    %dma_wait3A_92 = tpu.memref_slice %arg9[%dma_wait3A_90, %dma_wait3A_91] : memref<80x128xi32, #tpu.memory_space<vmem>> -> memref<1x128xi32, #tpu.memory_space<vmem>>
    %dma_wait3A_93 = tpu.memref_squeeze %dma_wait3A_92 : memref<1x128xi32, #tpu.memory_space<vmem>> -> memref<128xi32, #tpu.memory_space<vmem>>
    %dma_wait3A_94 = arith.constant 0 : i32
    %dma_wait3A_95 = arith.constant 0 : i32
    %dma_wait3A_96 = tpu.memref_slice %arg12[%dma_wait3A_94, %dma_wait3A_95] : memref<10240x128xf32, #tpu.memory_space<vmem_shared>> -> memref<10240x128xf32, #tpu.memory_space<vmem_shared>>
    tpu.wait_indirect_dma semaphore(%arg18 : memref<!tpu.dma_semaphore, #tpu.memory_space<semaphore_mem>>) src(%arg11 : memref<128x128xf32, #tpu.memory_space<vmem>>) dst(%dma_wait3A_96 : memref<10240x128xf32, #tpu.memory_space<vmem_shared>>)
    %dma_wait3A_97 = tpu.memref_slice %arg3[%mul3A_2] : memref<327680xi32, #tpu.memory_space<hbm>> -> memref<128xi32, #tpu.memory_space<hbm>>
    %dma_wait3A_98 = tpu.memref_slice %arg3[%mul3A_2] : memref<327680xi32, #tpu.memory_space<hbm>> -> memref<128xi32, #tpu.memory_space<hbm>>
    tpu.wait_dma2 semaphore(%arg13 : memref<!tpu.dma_semaphore, #tpu.memory_space<semaphore_mem>>) src(%dma_wait3A_98 : memref<128xi32, #tpu.memory_space<hbm>>) dst(%arg7 : memref<128xi32, #tpu.memory_space<vmem>>)
    %barrier3A_99 = arith.constant 0 : index
    tpu.barrier barrier_id(%barrier3A_99)
    %mul3A_100 = arith.constant 640 : i32
    %mul3A_101 = arith.muli %arg1, %mul3A_100 : i32
    %mul3A_102 = arith.constant 10240 : i32
    %mul3A_103 = arith.muli %arg0, %mul3A_102 : i32
    %mul3A_104 = arith.constant 640 : i32
    %mul3A_105 = arith.muli %arg1, %mul3A_104 : i32
    %add3A_106 = arith.addi %mul3A_103, %mul3A_105 : i32
    "tpu.region"() ({
      %run_scoped3A = tpu.sem_alloc : memref<!tpu.dma_semaphore, #tpu.memory_space<semaphore_mem>>
      %dma_start3A_107 = arith.constant 0 : i32
      %dma_start3A_108 = tpu.memref_slice %arg6[%add3A_106, %dma_start3A_107] : memref<20480x128xf32, #tpu.memory_space<hbm>> -> memref<640x128xf32, #tpu.memory_space<hbm>>
      %dma_start3A_109 = arith.constant 0 : i32
      %dma_start3A_110 = tpu.memref_slice %arg12[%mul3A_101, %dma_start3A_109] : memref<10240x128xf32, #tpu.memory_space<vmem_shared>> -> memref<640x128xf32, #tpu.memory_space<vmem_shared>>
      tpu.enqueue_dma source(%dma_start3A_110 : memref<640x128xf32, #tpu.memory_space<vmem_shared>>) target(%dma_start3A_108 : memref<640x128xf32, #tpu.memory_space<hbm>>) target_semaphore(%run_scoped3A : memref<!tpu.dma_semaphore, #tpu.memory_space<semaphore_mem>>)
      %dma_wait3A_111 = arith.constant 0 : i32
      %dma_wait3A_112 = tpu.memref_slice %arg6[%add3A_106, %dma_wait3A_111] : memref<20480x128xf32, #tpu.memory_space<hbm>> -> memref<640x128xf32, #tpu.memory_space<hbm>>
      %dma_wait3A_113 = arith.constant 0 : i32
      %dma_wait3A_114 = tpu.memref_slice %arg12[%mul3A_101, %dma_wait3A_113] : memref<10240x128xf32, #tpu.memory_space<vmem_shared>> -> memref<640x128xf32, #tpu.memory_space<vmem_shared>>
      tpu.wait_dma2 semaphore(%run_scoped3A : memref<!tpu.dma_semaphore, #tpu.memory_space<semaphore_mem>>) src(%dma_wait3A_114 : memref<640x128xf32, #tpu.memory_space<vmem_shared>>) dst(%dma_wait3A_112 : memref<640x128xf32, #tpu.memory_space<hbm>>)
      tpu.yield
    }) : () -> ()
    return
  }
}

module attributes {stable_mosaic.version = 14 : i64} {
  func.func @_mm_scale_body(%arg0: i32, %arg1: memref<1000x256xf32, #tpu.memory_space<vmem>>, %arg2: memref<256x256xf32, #tpu.memory_space<vmem>>, %arg3: memref<1000x1xf32, #tpu.memory_space<vmem>>, %arg4: memref<1000x1xf32, #tpu.memory_space<vmem>>, %arg5: memref<2x1000x128xf32, #tpu.memory_space<vmem>>) attributes {dimension_semantics = [#tpu.dimension_semantics<arbitrary>], iteration_bounds = array<i64: 10>, scalar_prefetch = 0 : i64, scratch_operands = 0 : i64, tpu.core_type = #tpu.core_type<tc>, window_params = [{transform_indices = @transform_0, window_bounds = array<i64: 1000, 256>}, {pipeline_mode = #tpu.pipeline_mode<synchronous>, transform_indices = @transform_1, window_bounds = array<i64: 256, 256>}, {transform_indices = @transform_2, window_bounds = array<i64: 1000, 1>}, {transform_indices = @transform_3, window_bounds = array<i64: 1000, 1>}, {transform_indices = @transform_4, window_bounds = array<i64: 2, 1000, 128>}]} {
    %get3A = arith.constant 0 : index
    %get3A_0 = arith.constant 0 : index
    %get3A_1 = vector.load %arg3[%get3A, %get3A_0] : memref<1000x1xf32, #tpu.memory_space<vmem>>, vector<1000x1xf32>
    %get3A_2 = arith.constant 0 : index
    %get3A_3 = arith.constant 0 : index
    %get3A_4 = vector.load %arg4[%get3A_2, %get3A_3] : memref<1000x1xf32, #tpu.memory_space<vmem>>, vector<1000x1xf32>
    %add3A = arith.addf %get3A_1, %get3A_4 : vector<1000x1xf32>
    %add3A_5 = arith.constant 1.000000e+00 : f32
    %add3A_6 = vector.broadcast %add3A_5 : f32 to vector<1000x1xf32>
    %add3A_7 = arith.addf %add3A, %add3A_6 : vector<1000x1xf32>
    %rsqrt3A = math.rsqrt %add3A_7 : vector<1000x1xf32>
    %get3A_8 = arith.constant 0 : index
    %get3A_9 = arith.constant 0 : index
    %get3A_10 = vector.load %arg1[%get3A_8, %get3A_9] : memref<1000x256xf32, #tpu.memory_space<vmem>>, vector<1000x256xf32>
    %get3A_11 = arith.constant 0 : index
    %get3A_12 = arith.constant 0 : index
    %get3A_13 = vector.load %arg2[%get3A_11, %get3A_12] : memref<256x256xf32, #tpu.memory_space<vmem>>, vector<256x256xf32>
    %dot_general3A = arith.constant dense<0.000000e+00> : vector<1000x256xf32>
    %dot_general3A_14 = tpu.matmul %get3A_10, %get3A_13, %dot_general3A {dimension_numbers = #tpu.dot_dimension_numbers<[1], [0], [0], [1], [0, 0, 1, 1], [], []>, transpose_lhs_hint = false} : vector<1000x256xf32>, vector<256x256xf32>, vector<1000x256xf32> -> vector<1000x256xf32>
    %mul3A = vector.broadcast %rsqrt3A : vector<1000x1xf32> to vector<1000x256xf32>
    %mul3A_15 = arith.mulf %dot_general3A_14, %mul3A : vector<1000x256xf32>
    %slice3A = vector.extract_strided_slice %mul3A_15 {offsets = [0, 0], sizes = [1000, 128], strides = [1, 1]} : vector<1000x256xf32> to vector<1000x128xf32>
    %swap3A = arith.constant 0 : index
    %swap3A_16 = arith.constant 0 : index
    %swap3A_17 = arith.constant 0 : index
    %swap3A_18 = vector.load %arg5[%swap3A, %swap3A_16, %swap3A_17] : memref<2x1000x128xf32, #tpu.memory_space<vmem>>, vector<1x1000x128xf32>
    %swap3A_19 = vector.shape_cast %swap3A_18 : vector<1x1000x128xf32> to vector<1000x128xf32>
    %swap3A_20 = vector.shape_cast %slice3A : vector<1000x128xf32> to vector<1x1000x128xf32>
    tpu.vector_store %arg5[%swap3A, %swap3A_16, %swap3A_17], %swap3A_20 {strides = array<i32>} : memref<2x1000x128xf32, #tpu.memory_space<vmem>>, vector<1x1000x128xf32>,
    %slice3A_21 = vector.extract_strided_slice %mul3A_15 {offsets = [0, 128], sizes = [1000, 128], strides = [1, 1]} : vector<1000x256xf32> to vector<1000x128xf32>
    %swap3A_22 = arith.constant 1 : index
    %swap3A_23 = arith.constant 0 : index
    %swap3A_24 = arith.constant 0 : index
    %swap3A_25 = vector.load %arg5[%swap3A_22, %swap3A_23, %swap3A_24] : memref<2x1000x128xf32, #tpu.memory_space<vmem>>, vector<1x1000x128xf32>
    %swap3A_26 = vector.shape_cast %swap3A_25 : vector<1x1000x128xf32> to vector<1000x128xf32>
    %swap3A_27 = vector.shape_cast %slice3A_21 : vector<1000x128xf32> to vector<1x1000x128xf32>
    tpu.vector_store %arg5[%swap3A_22, %swap3A_23, %swap3A_24], %swap3A_27 {strides = array<i32>} : memref<2x1000x128xf32, #tpu.memory_space<vmem>>, vector<1x1000x128xf32>,
    return
  }
  func.func @transform_0(%arg0: i32) -> (i32, i32) {
    %c0_i32 = arith.constant 0 : i32
    %c0_i32_0 = arith.constant 0 : i32
    return %arg0, %c0_i32 : i32, i32
  }
  func.func @transform_1(%arg0: i32) -> (i32, i32) {
    %c0_i32 = arith.constant 0 : i32
    %c0_i32_0 = arith.constant 0 : i32
    %c0_i32_1 = arith.constant 0 : i32
    return %c0_i32, %c0_i32_0 : i32, i32
  }
  func.func @transform_2(%arg0: i32) -> (i32, i32) {
    %c0_i32 = arith.constant 0 : i32
    %c0_i32_0 = arith.constant 0 : i32
    return %arg0, %c0_i32 : i32, i32
  }
  func.func @transform_3(%arg0: i32) -> (i32, i32) {
    %c0_i32 = arith.constant 0 : i32
    %c0_i32_0 = arith.constant 0 : i32
    return %arg0, %c0_i32 : i32, i32
  }
  func.func @transform_4(%arg0: i32) -> (i32, i32, i32) {
    %c0_i32 = arith.constant 0 : i32
    %c0_i32_0 = arith.constant 0 : i32
    %c0_i32_1 = arith.constant 0 : i32
    return %c0_i32, %arg0, %c0_i32_0 : i32, i32, i32
  }
}

module attributes {stable_mosaic.version = 14 : i64} {
  func.func @_combine_mm_body(%arg0: i32, %arg1: memref<2x1000x128xf32, #tpu.memory_space<vmem>>, %arg2: memref<2x1000x128xf32, #tpu.memory_space<vmem>>, %arg3: memref<1000x1xf32, #tpu.memory_space<vmem>>, %arg4: memref<1000x1xf32, #tpu.memory_space<vmem>>, %arg5: memref<1x256xf32, #tpu.memory_space<vmem>>, %arg6: memref<256x256xf32, #tpu.memory_space<vmem>>, %arg7: memref<2x1000x128xf32, #tpu.memory_space<vmem>>) attributes {dimension_semantics = [#tpu.dimension_semantics<arbitrary>], iteration_bounds = array<i64: 10>, scalar_prefetch = 0 : i64, scratch_operands = 0 : i64, tpu.core_type = #tpu.core_type<tc>, window_params = [{transform_indices = @transform_0, window_bounds = array<i64: 2, 1000, 128>}, {transform_indices = @transform_1, window_bounds = array<i64: 2, 1000, 128>}, {transform_indices = @transform_2, window_bounds = array<i64: 1000, 1>}, {transform_indices = @transform_3, window_bounds = array<i64: 1000, 1>}, {pipeline_mode = #tpu.pipeline_mode<synchronous>, transform_indices = @transform_4, window_bounds = array<i64: 1, 256>}, {pipeline_mode = #tpu.pipeline_mode<synchronous>, transform_indices = @transform_5, window_bounds = array<i64: 256, 256>}, {transform_indices = @transform_6, window_bounds = array<i64: 2, 1000, 128>}]} {
    %get3A = arith.constant 0 : index
    %get3A_0 = arith.constant 0 : index
    %get3A_1 = vector.load %arg3[%get3A, %get3A_0] : memref<1000x1xf32, #tpu.memory_space<vmem>>, vector<1000x1xf32>
    %get3A_2 = arith.constant 0 : index
    %get3A_3 = arith.constant 0 : index
    %get3A_4 = vector.load %arg4[%get3A_2, %get3A_3] : memref<1000x1xf32, #tpu.memory_space<vmem>>, vector<1000x1xf32>
    %add3A = arith.addf %get3A_1, %get3A_4 : vector<1000x1xf32>
    %add3A_5 = arith.constant 1.000000e+00 : f32
    %add3A_6 = vector.broadcast %add3A_5 : f32 to vector<1000x1xf32>
    %add3A_7 = arith.addf %add3A, %add3A_6 : vector<1000x1xf32>
    %rsqrt3A = math.rsqrt %add3A_7 : vector<1000x1xf32>
    %get3A_8 = arith.constant 0 : index
    %get3A_9 = arith.constant 0 : index
    %get3A_10 = vector.load %arg5[%get3A_8, %get3A_9] : memref<1x256xf32, #tpu.memory_space<vmem>>, vector<1x256xf32>
    %get3A_11 = arith.constant 0 : index
    %get3A_12 = arith.constant 0 : index
    %get3A_13 = arith.constant 0 : index
    %get3A_14 = vector.load %arg1[%get3A_11, %get3A_12, %get3A_13] : memref<2x1000x128xf32, #tpu.memory_space<vmem>>, vector<1x1000x128xf32>
    %get3A_15 = vector.shape_cast %get3A_14 : vector<1x1000x128xf32> to vector<1000x128xf32>
    %get3A_16 = arith.constant 0 : index
    %get3A_17 = arith.constant 0 : index
    %get3A_18 = arith.constant 0 : index
    %get3A_19 = vector.load %arg2[%get3A_16, %get3A_17, %get3A_18] : memref<2x1000x128xf32, #tpu.memory_space<vmem>>, vector<1x1000x128xf32>
    %get3A_20 = vector.shape_cast %get3A_19 : vector<1x1000x128xf32> to vector<1000x128xf32>
    %add3A_21 = arith.addf %get3A_15, %get3A_20 : vector<1000x128xf32>
    %mul3A = vector.broadcast %rsqrt3A : vector<1000x1xf32> to vector<1000x128xf32>
    %mul3A_22 = arith.mulf %add3A_21, %mul3A : vector<1000x128xf32>
    %slice3A = vector.extract_strided_slice %get3A_10 {offsets = [0, 0], sizes = [1, 128], strides = [1, 1]} : vector<1x256xf32> to vector<1x128xf32>
    %add3A_23 = vector.broadcast %slice3A : vector<1x128xf32> to vector<1000x128xf32>
    %add3A_24 = arith.addf %mul3A_22, %add3A_23 : vector<1000x128xf32>
    %max3A = arith.constant 0.000000e+00 : f32
    %max3A_25 = vector.broadcast %max3A : f32 to vector<1000x128xf32>
    %max3A_26 = arith.maximumf %add3A_24, %max3A_25 : vector<1000x128xf32>
    %get3A_27 = arith.constant 1 : index
    %get3A_28 = arith.constant 0 : index
    %get3A_29 = arith.constant 0 : index
    %get3A_30 = vector.load %arg1[%get3A_27, %get3A_28, %get3A_29] : memref<2x1000x128xf32, #tpu.memory_space<vmem>>, vector<1x1000x128xf32>
    %get3A_31 = vector.shape_cast %get3A_30 : vector<1x1000x128xf32> to vector<1000x128xf32>
    %get3A_32 = arith.constant 1 : index
    %get3A_33 = arith.constant 0 : index
    %get3A_34 = arith.constant 0 : index
    %get3A_35 = vector.load %arg2[%get3A_32, %get3A_33, %get3A_34] : memref<2x1000x128xf32, #tpu.memory_space<vmem>>, vector<1x1000x128xf32>
    %get3A_36 = vector.shape_cast %get3A_35 : vector<1x1000x128xf32> to vector<1000x128xf32>
    %add3A_37 = arith.addf %get3A_31, %get3A_36 : vector<1000x128xf32>
    %mul3A_38 = vector.broadcast %rsqrt3A : vector<1000x1xf32> to vector<1000x128xf32>
    %mul3A_39 = arith.mulf %add3A_37, %mul3A_38 : vector<1000x128xf32>
    %slice3A_40 = vector.extract_strided_slice %get3A_10 {offsets = [0, 128], sizes = [1, 128], strides = [1, 1]} : vector<1x256xf32> to vector<1x128xf32>
    %add3A_41 = vector.broadcast %slice3A_40 : vector<1x128xf32> to vector<1000x128xf32>
    %add3A_42 = arith.addf %mul3A_39, %add3A_41 : vector<1000x128xf32>
    %max3A_43 = arith.constant 0.000000e+00 : f32
    %max3A_44 = vector.broadcast %max3A_43 : f32 to vector<1000x128xf32>
    %max3A_45 = arith.maximumf %add3A_42, %max3A_44 : vector<1000x128xf32>
    %get3A_46 = arith.constant 0 : index
    %get3A_47 = arith.constant 0 : index
    %get3A_48 = vector.load %arg6[%get3A_46, %get3A_47] : memref<256x256xf32, #tpu.memory_space<vmem>>, vector<128x256xf32>
    %dot_general3A = arith.constant dense<0.000000e+00> : vector<1000x256xf32>
    %dot_general3A_49 = tpu.matmul %max3A_26, %get3A_48, %dot_general3A {dimension_numbers = #tpu.dot_dimension_numbers<[1], [0], [0], [1], [0, 0, 1, 1], [], []>, transpose_lhs_hint = false} : vector<1000x128xf32>, vector<128x256xf32>, vector<1000x256xf32> -> vector<1000x256xf32>
    %get3A_50 = arith.constant 128 : index
    %get3A_51 = arith.constant 0 : index
    %get3A_52 = vector.load %arg6[%get3A_50, %get3A_51] : memref<256x256xf32, #tpu.memory_space<vmem>>, vector<128x256xf32>
    %dot_general3A_53 = arith.constant dense<0.000000e+00> : vector<1000x256xf32>
    %dot_general3A_54 = tpu.matmul %max3A_45, %get3A_52, %dot_general3A_53 {dimension_numbers = #tpu.dot_dimension_numbers<[1], [0], [0], [1], [0, 0, 1, 1], [], []>, transpose_lhs_hint = false} : vector<1000x128xf32>, vector<128x256xf32>, vector<1000x256xf32> -> vector<1000x256xf32>
    %add3A_55 = arith.addf %dot_general3A_49, %dot_general3A_54 : vector<1000x256xf32>
    %mul3A_56 = vector.broadcast %rsqrt3A : vector<1000x1xf32> to vector<1000x256xf32>
    %mul3A_57 = arith.mulf %add3A_55, %mul3A_56 : vector<1000x256xf32>
    %slice3A_58 = vector.extract_strided_slice %mul3A_57 {offsets = [0, 0], sizes = [1000, 128], strides = [1, 1]} : vector<1000x256xf32> to vector<1000x128xf32>
    %swap3A = arith.constant 0 : index
    %swap3A_59 = arith.constant 0 : index
    %swap3A_60 = arith.constant 0 : index
    %swap3A_61 = vector.load %arg7[%swap3A, %swap3A_59, %swap3A_60] : memref<2x1000x128xf32, #tpu.memory_space<vmem>>, vector<1x1000x128xf32>
    %swap3A_62 = vector.shape_cast %swap3A_61 : vector<1x1000x128xf32> to vector<1000x128xf32>
    %swap3A_63 = vector.shape_cast %slice3A_58 : vector<1000x128xf32> to vector<1x1000x128xf32>
    tpu.vector_store %arg7[%swap3A, %swap3A_59, %swap3A_60], %swap3A_63 {strides = array<i32>} : memref<2x1000x128xf32, #tpu.memory_space<vmem>>, vector<1x1000x128xf32>,
    %slice3A_64 = vector.extract_strided_slice %mul3A_57 {offsets = [0, 128], sizes = [1000, 128], strides = [1, 1]} : vector<1000x256xf32> to vector<1000x128xf32>
    %swap3A_65 = arith.constant 1 : index
    %swap3A_66 = arith.constant 0 : index
    %swap3A_67 = arith.constant 0 : index
    %swap3A_68 = vector.load %arg7[%swap3A_65, %swap3A_66, %swap3A_67] : memref<2x1000x128xf32, #tpu.memory_space<vmem>>, vector<1x1000x128xf32>
    %swap3A_69 = vector.shape_cast %swap3A_68 : vector<1x1000x128xf32> to vector<1000x128xf32>
    %swap3A_70 = vector.shape_cast %slice3A_64 : vector<1000x128xf32> to vector<1x1000x128xf32>
    tpu.vector_store %arg7[%swap3A_65, %swap3A_66, %swap3A_67], %swap3A_70 {strides = array<i32>} : memref<2x1000x128xf32, #tpu.memory_space<vmem>>, vector<1x1000x128xf32>,
    return
  }
  func.func @transform_0(%arg0: i32) -> (i32, i32, i32) {
    %c0_i32 = arith.constant 0 : i32
    %c0_i32_0 = arith.constant 0 : i32
    %c0_i32_1 = arith.constant 0 : i32
    return %c0_i32, %arg0, %c0_i32_0 : i32, i32, i32
  }
  func.func @transform_1(%arg0: i32) -> (i32, i32, i32) {
    %c0_i32 = arith.constant 0 : i32
    %c0_i32_0 = arith.constant 0 : i32
    %c0_i32_1 = arith.constant 0 : i32
    return %c0_i32, %arg0, %c0_i32_0 : i32, i32, i32
  }
  func.func @transform_2(%arg0: i32) -> (i32, i32) {
    %c0_i32 = arith.constant 0 : i32
    %c0_i32_0 = arith.constant 0 : i32
    return %arg0, %c0_i32 : i32, i32
  }
  func.func @transform_3(%arg0: i32) -> (i32, i32) {
    %c0_i32 = arith.constant 0 : i32
    %c0_i32_0 = arith.constant 0 : i32
    return %arg0, %c0_i32 : i32, i32
  }
  func.func @transform_4(%arg0: i32) -> (i32, i32) {
    %c0_i32 = arith.constant 0 : i32
    %c0_i32_0 = arith.constant 0 : i32
    %c0_i32_1 = arith.constant 0 : i32
    return %c0_i32, %c0_i32_0 : i32, i32
  }
  func.func @transform_5(%arg0: i32) -> (i32, i32) {
    %c0_i32 = arith.constant 0 : i32
    %c0_i32_0 = arith.constant 0 : i32
    %c0_i32_1 = arith.constant 0 : i32
    return %c0_i32, %c0_i32_0 : i32, i32
  }
  func.func @transform_6(%arg0: i32) -> (i32, i32, i32) {
    %c0_i32 = arith.constant 0 : i32
    %c0_i32_0 = arith.constant 0 : i32
    %c0_i32_1 = arith.constant 0 : i32
    return %c0_i32, %arg0, %c0_i32_0 : i32, i32, i32
  }
}

module attributes {stable_mosaic.version = 14 : i64} {
  func.func @_final_body(%arg0: i32, %arg1: memref<2x1000x128xf32, #tpu.memory_space<vmem>>, %arg2: memref<2x1000x128xf32, #tpu.memory_space<vmem>>, %arg3: memref<1000x1xf32, #tpu.memory_space<vmem>>, %arg4: memref<1000x1xf32, #tpu.memory_space<vmem>>, %arg5: memref<1x256xf32, #tpu.memory_space<vmem>>, %arg6: memref<1000x256xf32, #tpu.memory_space<vmem>>) attributes {dimension_semantics = [#tpu.dimension_semantics<arbitrary>], iteration_bounds = array<i64: 10>, scalar_prefetch = 0 : i64, scratch_operands = 0 : i64, tpu.core_type = #tpu.core_type<tc>, window_params = [{transform_indices = @transform_0, window_bounds = array<i64: 2, 1000, 128>}, {transform_indices = @transform_1, window_bounds = array<i64: 2, 1000, 128>}, {transform_indices = @transform_2, window_bounds = array<i64: 1000, 1>}, {transform_indices = @transform_3, window_bounds = array<i64: 1000, 1>}, {pipeline_mode = #tpu.pipeline_mode<synchronous>, transform_indices = @transform_4, window_bounds = array<i64: 1, 256>}, {transform_indices = @transform_5, window_bounds = array<i64: 1000, 256>}]} {
    %get3A = arith.constant 0 : index
    %get3A_0 = arith.constant 0 : index
    %get3A_1 = vector.load %arg3[%get3A, %get3A_0] : memref<1000x1xf32, #tpu.memory_space<vmem>>, vector<1000x1xf32>
    %get3A_2 = arith.constant 0 : index
    %get3A_3 = arith.constant 0 : index
    %get3A_4 = vector.load %arg4[%get3A_2, %get3A_3] : memref<1000x1xf32, #tpu.memory_space<vmem>>, vector<1000x1xf32>
    %add3A = arith.addf %get3A_1, %get3A_4 : vector<1000x1xf32>
    %add3A_5 = arith.constant 1.000000e+00 : f32
    %add3A_6 = vector.broadcast %add3A_5 : f32 to vector<1000x1xf32>
    %add3A_7 = arith.addf %add3A, %add3A_6 : vector<1000x1xf32>
    %rsqrt3A = math.rsqrt %add3A_7 : vector<1000x1xf32>
    %get3A_8 = arith.constant 0 : index
    %get3A_9 = arith.constant 0 : index
    %get3A_10 = vector.load %arg5[%get3A_8, %get3A_9] : memref<1x256xf32, #tpu.memory_space<vmem>>, vector<1x256xf32>
    %get3A_11 = arith.constant 0 : index
    %get3A_12 = arith.constant 0 : index
    %get3A_13 = arith.constant 0 : index
    %get3A_14 = vector.load %arg1[%get3A_11, %get3A_12, %get3A_13] : memref<2x1000x128xf32, #tpu.memory_space<vmem>>, vector<1x1000x128xf32>
    %get3A_15 = vector.shape_cast %get3A_14 : vector<1x1000x128xf32> to vector<1000x128xf32>
    %get3A_16 = arith.constant 0 : index
    %get3A_17 = arith.constant 0 : index
    %get3A_18 = arith.constant 0 : index
    %get3A_19 = vector.load %arg2[%get3A_16, %get3A_17, %get3A_18] : memref<2x1000x128xf32, #tpu.memory_space<vmem>>, vector<1x1000x128xf32>
    %get3A_20 = vector.shape_cast %get3A_19 : vector<1x1000x128xf32> to vector<1000x128xf32>
    %add3A_21 = arith.addf %get3A_15, %get3A_20 : vector<1000x128xf32>
    %mul3A = vector.broadcast %rsqrt3A : vector<1000x1xf32> to vector<1000x128xf32>
    %mul3A_22 = arith.mulf %add3A_21, %mul3A : vector<1000x128xf32>
    %slice3A = vector.extract_strided_slice %get3A_10 {offsets = [0, 0], sizes = [1, 128], strides = [1, 1]} : vector<1x256xf32> to vector<1x128xf32>
    %add3A_23 = vector.broadcast %slice3A : vector<1x128xf32> to vector<1000x128xf32>
    %add3A_24 = arith.addf %mul3A_22, %add3A_23 : vector<1000x128xf32>
    %swap3A = arith.constant 0 : index
    %swap3A_25 = arith.constant 0 : index
    %swap3A_26 = vector.load %arg6[%swap3A, %swap3A_25] : memref<1000x256xf32, #tpu.memory_space<vmem>>, vector<1000x128xf32>
    tpu.vector_store %arg6[%swap3A, %swap3A_25], %add3A_24 {strides = array<i32>} : memref<1000x256xf32, #tpu.memory_space<vmem>>, vector<1000x128xf32>,
    %get3A_27 = arith.constant 1 : index
    %get3A_28 = arith.constant 0 : index
    %get3A_29 = arith.constant 0 : index
    %get3A_30 = vector.load %arg1[%get3A_27, %get3A_28, %get3A_29] : memref<2x1000x128xf32, #tpu.memory_space<vmem>>, vector<1x1000x128xf32>
    %get3A_31 = vector.shape_cast %get3A_30 : vector<1x1000x128xf32> to vector<1000x128xf32>
    %get3A_32 = arith.constant 1 : index
    %get3A_33 = arith.constant 0 : index
    %get3A_34 = arith.constant 0 : index
    %get3A_35 = vector.load %arg2[%get3A_32, %get3A_33, %get3A_34] : memref<2x1000x128xf32, #tpu.memory_space<vmem>>, vector<1x1000x128xf32>
    %get3A_36 = vector.shape_cast %get3A_35 : vector<1x1000x128xf32> to vector<1000x128xf32>
    %add3A_37 = arith.addf %get3A_31, %get3A_36 : vector<1000x128xf32>
    %mul3A_38 = vector.broadcast %rsqrt3A : vector<1000x1xf32> to vector<1000x128xf32>
    %mul3A_39 = arith.mulf %add3A_37, %mul3A_38 : vector<1000x128xf32>
    %slice3A_40 = vector.extract_strided_slice %get3A_10 {offsets = [0, 128], sizes = [1, 128], strides = [1, 1]} : vector<1x256xf32> to vector<1x128xf32>
    %add3A_41 = vector.broadcast %slice3A_40 : vector<1x128xf32> to vector<1000x128xf32>
    %add3A_42 = arith.addf %mul3A_39, %add3A_41 : vector<1000x128xf32>
    %swap3A_43 = arith.constant 0 : index
    %swap3A_44 = arith.constant 128 : index
    %swap3A_45 = vector.load %arg6[%swap3A_43, %swap3A_44] : memref<1000x256xf32, #tpu.memory_space<vmem>>, vector<1000x128xf32>
    tpu.vector_store %arg6[%swap3A_43, %swap3A_44], %add3A_42 {strides = array<i32>} : memref<1000x256xf32, #tpu.memory_space<vmem>>, vector<1000x128xf32>,
    return
  }
  func.func @transform_0(%arg0: i32) -> (i32, i32, i32) {
    %c0_i32 = arith.constant 0 : i32
    %c0_i32_0 = arith.constant 0 : i32
    %c0_i32_1 = arith.constant 0 : i32
    return %c0_i32, %arg0, %c0_i32_0 : i32, i32, i32
  }
  func.func @transform_1(%arg0: i32) -> (i32, i32, i32) {
    %c0_i32 = arith.constant 0 : i32
    %c0_i32_0 = arith.constant 0 : i32
    %c0_i32_1 = arith.constant 0 : i32
    return %c0_i32, %arg0, %c0_i32_0 : i32, i32, i32
  }
  func.func @transform_2(%arg0: i32) -> (i32, i32) {
    %c0_i32 = arith.constant 0 : i32
    %c0_i32_0 = arith.constant 0 : i32
    return %arg0, %c0_i32 : i32, i32
  }
  func.func @transform_3(%arg0: i32) -> (i32, i32) {
    %c0_i32 = arith.constant 0 : i32
    %c0_i32_0 = arith.constant 0 : i32
    return %arg0, %c0_i32 : i32, i32
  }
  func.func @transform_4(%arg0: i32) -> (i32, i32) {
    %c0_i32 = arith.constant 0 : i32
    %c0_i32_0 = arith.constant 0 : i32
    %c0_i32_1 = arith.constant 0 : i32
    return %c0_i32, %c0_i32_0 : i32, i32
  }
  func.func @transform_5(%arg0: i32) -> (i32, i32) {
    %c0_i32 = arith.constant 0 : i32
    %c0_i32_0 = arith.constant 0 : i32
    return %arg0, %c0_i32 : i32, i32
  }
}

</mosaic_0001>

<sc_bundles>
// kernel: kernel.11.cloned.1.call-start
scs
__scs_entry_jumppad:
0x0: {  	(pc) =	sbr.rel $0x88, $3  }
0x1: {  	(tag) =	ssettag $0x0;
	lr =	simm.s32 $0x1  }
0x2: {  	[smem:$0x3F9B] =	sst lr;
	_ =	strace $0xD0000000  }
0x3: {  	_ = 	snop  }
0x4: {  	_ = 	snop  }
0x5: {  	_ = 	snop  }
0x6: {  	_ = 	snop  }
0x7: {  	_ = 	snop  }
__scs_overlays_trampoline_lowered:
0x8: {  	[smem:$0x3FAA] =	sst s0  }
0x9: {  	[smem:$0x3FAB] =	sst s1  }
0xa: {  	[smem:$0x3FAC] =	sst s2  }
0xb: {  	[smem:$0x3FAD] =	sst s3  }
0xc: {  	[smem:$0x3FAE] =	sst s4  }
0xd: {  	[smem:$0x3FAF] =	sst s5  }
0xe: {  	[smem:$0x3FB0] =	sst s6  }
0xf: {  	[smem:$0x3FB1] =	sst s7  }
0x10: {  	[smem:$0x3FB2] =	sst s8  }
0x11: {  	[smem:$0x3FB3] =	sst s9;
	s0 =	simm.s32 @!p0 $0x0  }
0x12: {  	s1 =	sld [smem:$0x3F99];
	s0 =	simm.s32 @p0 $0x1  }
0x13: {  	[smem:$0x3FB4] =	sst s0;
	s0 =	simm.s32 @!p1 $0x0  }
0x14: {  	s2 =	sld [smem:$0x3F98];
	s0 =	simm.s32 @p1 $0x1  }
0x15: {  	[smem:$0x3FB5] =	sst s0;
	s0 =	simm.s32 @!p2 $0x0  }
0x16: {  	s3 =	sld [smem:$0x3FDB];
	s0 =	simm.s32 @p2 $0x1  }
0x17: {  	s4 =	simm.s32 $0x1BF5;
	[smem:$0x3FB7] =	sst s0  }
0x18: {  	s0 =	sld [smem:$0x3F9A];
	_ =	swait.ge [sflag:s4], $0x0  }
0x19: {  	s7 =	sld [smem:$0x3F9B]  }
0x1a: {  	s8 =	sadd.s32 $0xFFFFE003, lr  }
0x1b: {  	s9 =	sadd.s32 $0xFFFFFEF7, lr;
	s5 =	simm.s32 $0xFFFFFFFF;
	p2 =	slt.u32 s8, $0xFFFFF086  }
0x1c: {  	p1 =	slt.u32 s9, $0xF7A;
	s5 =	simm.s32 @!p2 $0x0  }
0x1d: {  	s5 =	simm.s32 @p1 $0x1;
	p0 =	seq.s32 s7, s2  }
0x1e: {  	s7 =	smul.u32 @!p0 $0xF7A, s2;
	p2 =	seq.s32 @!p0 s5, $0x0  }
0x1f: {  	s9 =	smul.u32 $0xF7A, s1;
	s8 =	simm.s32 @!p0 $0x1BF5;
	p2 =	por !p2, p0  }
0x20: {  	[sflag:s8] =	ssyncset.s32 @!p0 $0xFFFFF086;
	s6 =	sadd.s32 @!p0 s3, s7;
	s7 =	simm.s32 @!p0 $0x108  }
0x21: {  	s3 =	sadd.s32 s3, s9;
	s6 =	sadd.s32 @!p0 $0x88, s6;
	s7 =	simm.s32 @p2 $0x1082  }
0x22: {  	[simem:s7], [sflag:s8] =	dma.local @!p0 [hbm:s6], $0xF7A  }
0x23: {  	s9 =	sor.u32 $0xD0000000, s2;
	s6 =	simm.s32 $0x108;
	_ =	swait.ge @!p0 [sflag:s8], $0x0  }
0x24: {  	s3 =	sadd.s32 $0x88, s3;
	s6 =	simm.s32 @!p1 $0x1082;
	[sflag:s4] =	ssyncset.s32 $0xFFFFF086  }
0x25: {  	[simem:s6], [sflag:s4] =	dma.local [hbm:s3], $0xF7A  }
0x26: {  	[smem:$0x3F9B] =	sst s1;
	(tag) =	ssettag s2;
	_ =	strace s9  }
0x27: {  	s1 =	sld [smem:$0x3FAB]  }
0x28: {  	s2 =	sld [smem:$0x3FAC]  }
0x29: {  	s4 =	sld [smem:$0x3FAE]  }
0x2a: {  	p0 =	seq.s32 s5, $0x0;
	s5 =	sld [smem:$0x3FAF]  }
0x2b: {  	s6 =	sld [smem:$0x3FB0]  }
0x2c: {  	s7 =	sld [smem:$0x3FB1]  }
0x2d: {  	s3 =	simm.s32 $0x108;
	s8 =	sld [smem:$0x3FB2]  }
0x2e: {  	s3 =	simm.s32 @!p0 $0x1082;
	s9 =	sld [smem:$0x3FB3]  }
0x2f: {  	lr =	sadd.s32 s0, s3;
	s0 =	sld [smem:$0x3FAA]  }
0x30: {  	s3 =	sld [smem:$0x3FAD]  }
0x31: {  	[smem:$0x3FB6] =	sst s10  }
0x32: {  	s10 =	sld [smem:$0x3FB4];
	_ =	sdelay $0x3  }
0x33: {  	p0 =	seq.s32 s10, $0x1;
	s10 =	sld [smem:$0x3FB6];
	_ =	sdelay $0x3  }
0x34: {  	[smem:$0x3FB6] =	sst s10  }
0x35: {  	s10 =	sld [smem:$0x3FB5];
	_ =	sdelay $0x3  }
0x36: {  	p1 =	seq.s32 s10, $0x1;
	s10 =	sld [smem:$0x3FB6];
	_ =	sdelay $0x3  }
0x37: {  	[smem:$0x3FB6] =	sst s10  }
0x38: {  	s10 =	sld [smem:$0x3FB7]  }
0x39: {  	_ = 	snop;
	(pc) =	sbr.ind lr, $3  }
0x3a: {  	_ = 	snop  }
0x3b: {  	_ = 	snop  }
0x3c: {  	p2 =	seq.s32 s10, $0x1;
	s10 =	sld [smem:$0x3FB6]  }
0x3d: {  	_ =	shalt  }
0x3e: {  	_ =	shalt  }
0x3f: {  	_ =	shalt  }
0x40: {  	_ =	shalt  }
0x41: {  	_ =	shalt  }
0x42: {  	_ =	shalt  }
0x43: {  	_ =	shalt  }
0x44: {  	_ =	shalt  }
0x45: {  	_ =	shalt  }
0x46: {  	_ =	shalt  }
0x47: {  	_ =	shalt  }
0x48: {  	_ =	shalt  }
0x49: {  	_ =	shalt  }
0x4a: {  	_ =	shalt  }
0x4b: {  	_ =	shalt  }
0x4c: {  	_ =	shalt  }
0x4d: {  	_ =	shalt  }
0x4e: {  	_ =	shalt  }
0x4f: {  	_ =	shalt  }
0x50: {  	_ =	shalt  }
0x51: {  	_ =	shalt  }
0x52: {  	_ =	shalt  }
0x53: {  	_ =	shalt  }
0x54: {  	_ =	shalt  }
0x55: {  	_ =	shalt  }
0x56: {  	_ =	shalt  }
0x57: {  	_ =	shalt  }
0x58: {  	_ =	shalt  }
0x59: {  	_ =	shalt  }
0x5a: {  	_ =	shalt  }
0x5b: {  	_ =	shalt  }
0x5c: {  	_ =	shalt  }
0x5d: {  	_ =	shalt  }
0x5e: {  	_ =	shalt  }
0x5f: {  	_ =	shalt  }
0x60: {  	_ =	shalt  }
0x61: {  	_ =	shalt  }
0x62: {  	_ =	shalt  }
0x63: {  	_ =	shalt  }
0x64: {  	_ =	shalt  }
0x65: {  	_ =	shalt  }
0x66: {  	_ =	shalt  }
0x67: {  	_ =	shalt  }
0x68: {  	_ =	shalt  }
0x69: {  	_ =	shalt  }
0x6a: {  	_ =	shalt  }
0x6b: {  	_ =	shalt  }
0x6c: {  	_ =	shalt  }
0x6d: {  	_ =	shalt  }
0x6e: {  	_ =	shalt  }
0x6f: {  	_ =	shalt  }
0x70: {  	_ =	shalt  }
0x71: {  	_ =	shalt  }
0x72: {  	_ =	shalt  }
0x73: {  	_ =	shalt  }
0x74: {  	_ =	shalt  }
0x75: {  	_ =	shalt  }
0x76: {  	_ =	shalt  }
0x77: {  	_ =	shalt  }
0x78: {  	_ =	shalt  }
0x79: {  	_ =	shalt  }
0x7a: {  	_ =	shalt  }
0x7b: {  	_ =	shalt  }
0x7c: {  	_ =	shalt  }
0x7d: {  	_ =	shalt  }
0x7e: {  	_ =	shalt  }
0x7f: {  	_ =	shalt  }
0x80: {  	_ =	shalt  }
0x81: {  	_ =	shalt  }
0x82: {  	_ =	shalt  }
0x83: {  	_ =	shalt  }
0x84: {  	_ =	shalt  }
0x85: {  	_ =	shalt  }
0x86: {  	_ =	shalt  }
0x87: {  	_ =	shalt  }
.Lfunc_end0:
.L_simem_size_0:
called_computation.1_lowered:
.L_overlay_start_0:
0x88: {  	s2 =	sld [smem:$0x3FD9]  }
0x89: {  	s3 =	sld [smem:$0x3FFE];
	_ =	sdelay $0x1  }
0x8a: {  	s1 =	srdreg.scid  }
0x8b: {  	s0 =	sand.u32 $0x1, s1  }
0x8c: {  	s17 =	sshll.u32 s0, $0xA;
	s2 =	sadd.s32 s3, s2  }
0x8d: {  	s2 =	sadd.s32 s2, s17  }
0x8e: {  	[smem:$0x3FC2] =	sst s2  }
0x8f: {  	_ = 	snop  }
0x90: {  	s2 =	sld [smem:$0x3FD0];
	(tm) =	ssettm $0x1  }
0x91: {  	s18 =	sld [smem:$0x3FFB];
	_ =	sdelay $0x3  }
0x92: {  	_ =	strace s18  }
0x93: {  	s3 =	sld [smem:$0x3FFC];
	_ =	sdelay $0x3  }
0x94: {  	_ =	strace s3  }
0x95: {  	s3 =	sld [smem:$0x3FFD];
	_ =	sdelay $0x3  }
0x96: {  	_ =	strace s3  }
0x97: {  	_ =	strace $0x8FFFFFFF  }
0x98: {  	s19 =	sld [smem:$0x3FDB];
	_ =	sdelay $0x1  }
0x99: {  	s4 =	simm.s32 $_scs_section_size  }
0x9a: {  	s5 =	simm.s32 $_size__tile_overlayer_lowered;
	s6 =	simm.s32 $_tile_overlayer_lowered  }
0x9b: {  	s22 =	simm.s32 $0x1BFF;
	s21 =	sshll.u32 s6, $0x1;
	s3 =	sadd.s32 s4, s19  }
0x9c: {  	s7 =	simm.s32 $0x0;
	s20 =	sshll.u32 s5, $0x1;
	s5 =	sadd.s32 s21, s3  }
0x9d: {  	[timem:s7], [sflag:s22] =	dma.local [hbm:s5], s20  }
0x9e: {  	_ =	swait.ge [sflag:s22], s20  }
0x9f: {  	s4 =	ssub.s32 $0x0, s20;
	[sflag:s22] =	ssyncset.done $0x0  }
0xa0: {  	[sflag:s22] =	ssyncadd.s32 s4;
	_ =	sdelay $0x1  }
0xa1: {  	s23 =	simm.s32 $0x1B8B  }
0xa2: {  	_ =	swait.ge [sflag:s23], $0x1  }
0xa3: {  	[sflag:s23] =	ssyncset.done $0x0  }
0xa4: {  	s25 =	simm.s32 $0x1B8E;
	s24 =	sld [smem:$0x3FFE];
	[sflag:s23] =	ssyncadd.s32 $0xFFFFFFFF  }
0xa5: {  	s26 =	simm.s32 $execute0_lowered;
	[smem:$0x3FD2] =	sst s25  }
0xa6: {  	s5 =	sshll.u32 s26, $0x1;
	_ =	strace $0x80000049;
	[dreg:$0x1] =	wrdreg $0xFFFFFFFF  }
0xa7: {  	s28 =	simm.s32 $_size_execute0_lowered;
	s3 =	sadd.s32 s3, s5;
	[dreg:$0x0] =	wrdreg $0x0  }
0xa8: {  	s5 =	sshll.u32 s28, $0x1;
	[dreg:$0x2] =	wrdreg s3  }
0xa9: {  	[dreg:$0x3] =	wrdreg s5  }
0xaa: {  	[dreg:$0x4] =	wrdreg $0xC0  }
0xab: {  	_ =	task [dreg:s7], $0x5FFFF  }
0xac: {  	[dreg:$0x1] =	wrdreg $0xFFFFFFFF  }
0xad: {  	[dreg:$0x0] =	wrdreg $0x60  }
0xae: {  	[dreg:$0x2] =	wrdreg s24  }
0xaf: {  	[dreg:$0x3] =	wrdreg s2  }
0xb0: {  	[dreg:$0x4] =	wrdreg $0xA9000  }
0xb1: {  	[dreg:$0x5] =	wrdreg $0x9  }
0xb2: {  	_ =	task.clear_ibuf [dreg:s7], $0x6FFFF;
	_ =	strace $0x90000049  }
0xb3: {  	s29 =	simm.s32 $0x9;
	_ =	strace $0x8000004B  }
0xb4: {  	_ =	swait.ge [sflag:s29], $0x1  }
0xb5: {  	[sflag:s29] =	ssyncadd.s32 $0xFFFFFFFF  }
0xb6: {  	_ =	strace $0x9000004B  }
0xb7: {  	_ =	sfence  }
0xb8: {  	s30 =	sld [smem:$0x0];
	_ =	sdelay $0x2  }
0xb9: {  	s31 =	sshll.u32 s1, $0xD;
	s1 =	sshrl.u32 s1, $0x2  }
0xba: {  	s3 =	sand.u32 $0x4000, s31;
	s1 =	sadd.s32 s1, s30  }
0xbb: {  	s0 =	sor.u32 s3, s0;
	s1 =	sshll.u32 s1, $0x11  }
0xbc: {  	s0 =	sor.u32 s1, s0  }
0xbd: {  	s0 =	sadd.s32 $0x8F2B, s0  }
0xbe: {  	[sflag:s0] =	ssyncadd.remote.s32 $0x1  }
0xbf: {  	_ =	sfence.sel $0xFFFF  }
0xc0: {  	[dreg:$0x0] =	wrdreg $0xFFFFFFFF;
	(pc) =	sbr.abs _section_cstart, $3  }
0xc1: {  	[dreg:$0x1] =	wrdreg $0xFFFFFFFF  }
0xc2: {  	_ =	task.clear_ibuf [dreg:s7], $0x2FFFF;
	_ =	strace $0x9FFFFFFF  }
0xc3: {  	(tm) =	ssettm $0x7FFFFFFF  }
tec
execute0_lowered:
.L_overlay_start_1:
0x0: {  	(tag) =	ssettag $0x1  }
0x1: {  	s0 =	rddreg [dreg:$0x0]  }
0x2: {  	s1 =	rddreg [dreg:$0x1]  }
0x3: {  	s2 =	rddreg [dreg:$0x2];
	s3 =	simm.s32 $0x0;
	s11 =	stileid.u32  }
0x4: {  	s4 =	srdreg.scid;
	s17 =	simm.s32 $0x100;
	s19 =	simm.s32 $0x1  }
0x5: {  	s20 =	simm.s32 $0x5;
	s21 =	simm.s32 $0x80;
	s22 =	simm.s32 $0x2900  }
0x6: {  	s23 =	simm.s32 $0x3;
	s28 =	simm.s32 $0x6;
	s5 =	smul.u32 $0x500, s11  }
0x7: {  	[smem:$0x7FF] =	sst s3;
	s6 =	sand.u32 $0x1, s4;
	s7 =	smul.u32 $0x2800, s11  }
0x8: {  	s4 =	sadd.s32 $0x7000, s0;
	s24 =	sadd.s32 $0x57000, s0;
	s26 =	smul.u32 $0x50000, s11  }
0x9: {  	_ =	strace $0x8000004A;
	s8 =	sshll.u32 s6, $0x4;
	s10 =	smul.u32 $0x28000, s6  }
0xa: {  	[dreg:$0x4] =	wrdreg s24;
	s6 =	ssub.s32 $0x2, s6;
	s24 =	simm.s32 $0x2  }
0xb: {  	s9 =	sadd.s32 s5, s0;
	s8 =	sor.u32 s11, s8;
	s25 =	sshrl.u32 s6, $0x1  }
0xc: {  	s29 =	sshrl.u32 s26, $0x2;
	s26 =	simm.s32 $0x4;
	s8 =	smul.u32 $0x2800, s8  }
0xd: {  	s14 =	sadd.s32 s7, s10;
	s13 =	ssub.s32 s6, s25;
	s6 =	sadd.s32 $0x2000, s9  }
0xe: {  	s7 =	sshll.u32 s11, $0x6;
	s18 =	sadd.s32 s29, s2;
	s25 =	simm.s32 $0x6900  }
0xf: {  	s0 =	sadd.s32 s14, s0;
	s13 =	smax.u32 s13, $0x1;
	s31 =	sor.u32 $0x180, s14  }
0x10: {  	s15 =	sor.u32 $0x200, s14;
	s18 =	sshrl.u32 s18, $0x3;
	s30 =	sshrl.u32 s8, $0x3  }
0x11: {  	s8 =	sor.u32 $0x1C05, s7;
	s12 =	sadd.s32 $0x59800, s0;
	s0 =	sshrl.u32 s31, $0x3  }
0x12: {  	s16 =	sshrl.u32 s15, $0x3;
	s9 =	sadd.s32 s1, s30;
	s15 =	sadd.s32 s0, s1  }
0x13: {  	s16 =	sadd.s32 s16, s1;
	s0 =	simm.s32 $0x7;
	s1 =	simm.s32 $0x0  }
0x14: {  	s10 =	sadd.s32 $0x10, s9;
	s11 =	sadd.s32 $0x20, s9;
	s14 =	sadd.s32 $0x4F0, s9  }
.LBB2_1:
0x15: {  	[tilespmem:s17], [sflag:$0x1] =	stream.linear.gather [hbm4b:s6+s3], $0x2800, $0x38;
	[tilespmem:$0x1E900] =	vst v63  }
0x16: {  	s5 =	rddreg [dreg:$0x4]  }
0x17: {  	[spmem:s18], [sflag:s8] =	dma.local [hbm:s5], $0x2800  }
0x18: {  	_ =	swait.ge [sflag:s19], $0x2800  }
0x19: {  	[sflag:s19] =	ssyncset.done $0x0  }
0x1a: {  	[sflag:s19] =	ssyncadd.s32 $0xFFFFD800  }
0x1b: {  	_ =	swait.ge [sflag:s20], $0x2800  }
0x1c: {  	[sflag:s20] =	ssyncset.done $0x0  }
0x1d: {  	[sflag:s20] =	ssyncadd.s32 $0xFFFFD800  }
0x1e: {  	[bflag:$0x0] =	sbarrier.arrive $0xFFFF  }
0x1f: {  	[tilespmem:s3], [sflag:$0x1] =	stream.linear.gather [hbm4b:s9+s3], $0x80, $0x38;
	[tilespmem:$0x1E900] =	vst v63  }
0x20: {  	_ = 	snop  }
0x21: {  	[tilespmem:s21], [sflag:$0x2] =	stream.linear.gather [hbm4b:s10+s3], $0x80, $0x38;
	[tilespmem:$0x1E900] =	vst v63  }
0x22: {  	_ =	swait.ge [sflag:s19], $0x80  }
0x23: {  	[sflag:s19] =	ssyncset.done $0x0  }
0x24: {  	[sflag:s19] =	ssyncadd.s32 $0xFFFFFF80  }
0x25: {  	[tilespmem:s22], [sflag:$0x3] =	stream.indirect.gather [hbm4b:s4+s21], $0x80, s3, s21, $0xb8;
	[tilespmem:$0x1E900] =	vst v63  }
0x26: {  	_ =	swait.ge [sflag:s23], $0x4000  }
0x27: {  	[sflag:s23] =	ssyncset.done $0x0  }
0x28: {  	[sflag:s23] =	ssyncadd.s32 $0xFFFFC000  }
0x29: {  	[spmem:s2] =	stream.indirect.scatter.add.f32 [tilespmem:s22], [sflag:$0x5], $0x80, s17, s21, $0xb8;
	[tilespmem:$0x1E900] =	vst v63  }
0x2a: {  	_ = 	snop  }
0x2b: {  	[tilespmem:s3], [sflag:$0x1] =	stream.linear.gather [hbm4b:s11+s3], $0x80, $0x38;
	[tilespmem:$0x1E900] =	vst v63  }
0x2c: {  	_ =	swait.ge [sflag:s24], $0x80  }
0x2d: {  	[sflag:s24] =	ssyncset.done $0x0  }
0x2e: {  	[sflag:s24] =	ssyncadd.s32 $0xFFFFFF80  }
0x2f: {  	[tilespmem:s25], [sflag:$0x4] =	stream.indirect.gather [hbm4b:s4+s21], $0x80, s21, s21, $0xb8;
	[tilespmem:$0x1E900] =	vst v63  }
0x30: {  	_ =	swait.ge [sflag:s26], $0x4000  }
0x31: {  	[sflag:s26] =	ssyncset.done $0x0  }
0x32: {  	s29 =	simm.s32 $0x180;
	[sflag:s26] =	ssyncadd.s32 $0xFFFFC000  }
0x33: {  	[spmem:s2] =	stream.indirect.scatter.add.f32 [tilespmem:s25], [sflag:$0x6], $0x80, s29, s21, $0xb8;
	[tilespmem:$0x1E900] =	vst v63  }
0x34: {  	s29 =	sadd.s32 $0x0, s15  }
0x35: {  	[tilespmem:s21], [sflag:$0x2] =	stream.linear.gather [hbm4b:s29+s3], $0x80, $0x38;
	[tilespmem:$0x1E900] =	vst v63  }
0x36: {  	_ =	swait.ge [sflag:s20], $0x4000  }
0x37: {  	[sflag:s20] =	ssyncset.done $0x0  }
0x38: {  	[sflag:s20] =	ssyncadd.s32 $0xFFFFC000  }
0x39: {  	_ =	swait.ge [sflag:s19], $0x80  }
0x3a: {  	[sflag:s19] =	ssyncset.done $0x0  }
0x3b: {  	[sflag:s19] =	ssyncadd.s32 $0xFFFFFF80  }
0x3c: {  	[tilespmem:s22], [sflag:$0x3] =	stream.indirect.gather [hbm4b:s4+s21], $0x80, s3, s21, $0xb8;
	[tilespmem:$0x1E900] =	vst v63  }
0x3d: {  	_ =	swait.ge [sflag:s23], $0x4000  }
0x3e: {  	[sflag:s23] =	ssyncset.done $0x0  }
0x3f: {  	s29 =	simm.s32 $0x200;
	[sflag:s23] =	ssyncadd.s32 $0xFFFFC000  }
0x40: {  	[spmem:s2] =	stream.indirect.scatter.add.f32 [tilespmem:s22], [sflag:$0x5], $0x80, s29, s21, $0xb8;
	[tilespmem:$0x1E900] =	vst v63  }
0x41: {  	s29 =	sadd.s32 $0x0, s16  }
0x42: {  	[tilespmem:s3], [sflag:$0x1] =	stream.linear.gather [hbm4b:s29+s3], $0x80, $0x38;
	[tilespmem:$0x1E900] =	vst v63  }
0x43: {  	_ =	swait.ge [sflag:s28], $0x4000  }
0x44: {  	[sflag:s28] =	ssyncset.done $0x0  }
0x45: {  	[sflag:s28] =	ssyncadd.s32 $0xFFFFC000  }
0x46: {  	_ =	swait.ge [sflag:s24], $0x80  }
0x47: {  	[sflag:s24] =	ssyncset.done $0x0  }
0x48: {  	s30 =	simm.s32 $0x300;
	s29 =	simm.s32 $0x20;
	[sflag:s24] =	ssyncadd.s32 $0xFFFFFF80  }
.LBB2_2:
0x49: {  	[tilespmem:s25], [sflag:$0x4] =	stream.indirect.gather [hbm4b:s4+s21], $0x80, s21, s21, $0xb8;
	[tilespmem:$0x1E900] =	vst v63  }
0x4a: {  	s31 =	smov.u32 s29  }
0x4b: {  	p0 =	sne.s32 s29, $0x4A0;
	s29 =	sadd.s32 $0x20, s29;
	_ =	swait.ge [sflag:s26], $0x4000  }
0x4c: {  	[sflag:s26] =	ssyncset.done $0x0  }
0x4d: {  	s5 =	sadd.s32 $0xFFFFFF80, s30;
	[sflag:s26] =	ssyncadd.s32 $0xFFFFC000  }
0x4e: {  	[spmem:s2] =	stream.indirect.scatter.add.f32 [tilespmem:s25], [sflag:$0x6], $0x80, s5, s21, $0xb8;
	[tilespmem:$0x1E900] =	vst v63  }
0x4f: {  	s5 =	sadd.s32 s31, s15  }
0x50: {  	[tilespmem:s21], [sflag:$0x2] =	stream.linear.gather [hbm4b:s5+s3], $0x80, $0x38;
	[tilespmem:$0x1E900] =	vst v63  }
0x51: {  	_ =	swait.ge [sflag:s20], $0x4000  }
0x52: {  	[sflag:s20] =	ssyncset.done $0x0  }
0x53: {  	[sflag:s20] =	ssyncadd.s32 $0xFFFFC000  }
0x54: {  	_ =	swait.ge [sflag:s19], $0x80  }
0x55: {  	[sflag:s19] =	ssyncset.done $0x0  }
0x56: {  	[sflag:s19] =	ssyncadd.s32 $0xFFFFFF80  }
0x57: {  	[tilespmem:s22], [sflag:$0x3] =	stream.indirect.gather [hbm4b:s4+s21], $0x80, s3, s21, $0xb8;
	[tilespmem:$0x1E900] =	vst v63  }
0x58: {  	_ =	swait.ge [sflag:s23], $0x4000  }
0x59: {  	[sflag:s23] =	ssyncset.done $0x0  }
0x5a: {  	[sflag:s23] =	ssyncadd.s32 $0xFFFFC000  }
0x5b: {  	[spmem:s2] =	stream.indirect.scatter.add.f32 [tilespmem:s22], [sflag:$0x5], $0x80, s30, s21, $0xb8;
	[tilespmem:$0x1E900] =	vst v63  }
0x5c: {  	s5 =	sadd.s32 s31, s16  }
0x5d: {  	[tilespmem:s3], [sflag:$0x1] =	stream.linear.gather [hbm4b:s5+s3], $0x80, $0x38;
	[tilespmem:$0x1E900] =	vst v63  }
0x5e: {  	_ =	swait.ge [sflag:s28], $0x4000  }
.Ltmp0:
0x5f: {  	[sflag:s28] =	ssyncset.done $0x0;
	(pc) =	sbr.rel @p0 .LBB2_2-.Ltmp0, $4  }
0x60: {  	[sflag:s28] =	ssyncadd.s32 $0xFFFFC000  }
0x61: {  	_ =	swait.ge [sflag:s24], $0x80  }
0x62: {  	[sflag:s24] =	ssyncset.done $0x0  }
0x63: {  	s30 =	sadd.s32 $0x100, s30;
	[sflag:s24] =	ssyncadd.s32 $0xFFFFFF80  }
0x64: {  	[tilespmem:s25], [sflag:$0x4] =	stream.indirect.gather [hbm4b:s4+s21], $0x80, s21, s21, $0xb8;
	[tilespmem:$0x1E900] =	vst v63  }
0x65: {  	_ =	swait.ge [sflag:s26], $0x4000  }
0x66: {  	[sflag:s26] =	ssyncset.done $0x0  }
0x67: {  	s5 =	simm.s32 $0x2780;
	[sflag:s26] =	ssyncadd.s32 $0xFFFFC000  }
0x68: {  	[spmem:s2] =	stream.indirect.scatter.add.f32 [tilespmem:s25], [sflag:$0x6], $0x80, s5, s21, $0xb8;
	[tilespmem:$0x1E900] =	vst v63  }
0x69: {  	_ = 	snop  }
0x6a: {  	[tilespmem:s21], [sflag:$0x2] =	stream.linear.gather [hbm4b:s14+s3], $0x80, $0x38;
	[tilespmem:$0x1E900] =	vst v63  }
0x6b: {  	_ =	swait.ge [sflag:s20], $0x4000  }
0x6c: {  	[sflag:s20] =	ssyncset.done $0x0  }
0x6d: {  	[sflag:s20] =	ssyncadd.s32 $0xFFFFC000  }
0x6e: {  	_ =	swait.ge [sflag:s19], $0x80  }
0x6f: {  	[sflag:s19] =	ssyncset.done $0x0  }
0x70: {  	[sflag:s19] =	ssyncadd.s32 $0xFFFFFF80  }
0x71: {  	[tilespmem:s22], [sflag:$0x3] =	stream.indirect.gather [hbm4b:s4+s21], $0x80, s3, s21, $0xb8;
	[tilespmem:$0x1E900] =	vst v63  }
0x72: {  	_ =	swait.ge [sflag:s23], $0x4000  }
0x73: {  	[sflag:s23] =	ssyncset.done $0x0  }
0x74: {  	s29 =	simm.s32 $0x2800;
	[sflag:s23] =	ssyncadd.s32 $0xFFFFC000  }
0x75: {  	[spmem:s2] =	stream.indirect.scatter.add.f32 [tilespmem:s22], [sflag:$0x5], $0x80, s29, s21, $0xb8;
	[tilespmem:$0x1E900] =	vst v63  }
0x76: {  	_ = 	snop  }
0x77: {  	[tilespmem:s3], [sflag:$0x1] =	stream.linear.gather [hbm4b:s14+s3], $0x80, $0x38;
	[tilespmem:$0x1E900] =	vst v63  }
0x78: {  	_ =	swait.ge [sflag:s28], $0x4000  }
0x79: {  	[sflag:s28] =	ssyncset.done $0x0  }
0x7a: {  	[sflag:s28] =	ssyncadd.s32 $0xFFFFC000  }
0x7b: {  	_ =	swait.ge [sflag:s24], $0x80  }
0x7c: {  	[sflag:s24] =	ssyncset.done $0x0  }
0x7d: {  	[sflag:s24] =	ssyncadd.s32 $0xFFFFFF80  }
0x7e: {  	[tilespmem:s25], [sflag:$0x4] =	stream.indirect.gather [hbm4b:s4+s21], $0x80, s21, s21, $0xb8;
	[tilespmem:$0x1E900] =	vst v63  }
0x7f: {  	_ =	swait.ge [sflag:s26], $0x4000  }
0x80: {  	[sflag:s26] =	ssyncset.done $0x0  }
0x81: {  	s30 =	simm.s32 $0x2880;
	[sflag:s26] =	ssyncadd.s32 $0xFFFFC000  }
0x82: {  	[spmem:s2] =	stream.indirect.scatter.add.f32 [tilespmem:s25], [sflag:$0x6], $0x80, s30, s21, $0xb8;
	[tilespmem:$0x1E900] =	vst v63  }
0x83: {  	_ =	swait.ge [sflag:s20], $0x4000  }
0x84: {  	[sflag:s20] =	ssyncset.done $0x0  }
0x85: {  	[sflag:s20] =	ssyncadd.s32 $0xFFFFC000  }
0x86: {  	_ =	swait.ge [sflag:s28], $0x4000  }
0x87: {  	[sflag:s28] =	ssyncset.done $0x0  }
0x88: {  	[sflag:s28] =	ssyncadd.s32 $0xFFFFC000  }
0x89: {  	_ =	swait.ge [sflag:s19], $0x80  }
0x8a: {  	s1 =	sadd.s32 $0x1, s1;
	[sflag:s19] =	ssyncset.done $0x0  }
0x8b: {  	p0 =	sne.s32 s1, s13;
	[sflag:s19] =	ssyncadd.s32 $0xFFFFFF80  }
.Ltmp1:
0x8c: {  	s31 =	sor.u32 $0x1C07, s7;
	[bflag:$0x0] =	sbarrier.arrive $0xFFFF;
	(pc) =	sbr.rel @p0 .LBB2_1-.Ltmp1, $4  }
0x8d: {  	[hbm:s12], [sflag:s31] =	dma.local [spmem:s18], $0x2800  }
0x8e: {  	_ =	swait.ge [sflag:s0], $0x2800  }
0x8f: {  	[sflag:s0] =	ssyncset.done $0x0  }
0x90: {  	[sflag:s0] =	ssyncadd.s32 $0xFFFFD800  }
0x91: {  	_ =	sfence.sel $0x180000  }
0x92: {  	[bflag:$0x0] =	sbarrier.arrive $0xFFFF  }
0x93: {  	_ =	strace $0x9000004A  }
0x94: {  	s0 =	stileid.u32;
	[bflag:$0x2] =	sbarrier.arrive $0xFFFF  }
0x95: {  	p0 =	sne.s32 s0, $0x0;
	s0 =	rddreg [dreg:$0x3]  }
0x96: {  	s0 =	sadd.s32 @!p0 $0x100000, s0  }
0x97: {  	[sflag:s0] =	ssyncadd.tile.s32 @!p0 $0x1;
	_ =	shalt  }
.Lfunc_end2:
_tile_overlayer_lowered:
.L_overlay_start_2:
0x98: {  	(tag) =	ssettag $0x2  }
0x99: {  	s0 =	rddreg [dreg:$0x0];
	s2 =	stileid.u32  }
0x9a: {  	s1 =	rddreg [dreg:$0x1];
	p0 =	sne.s32 s2, $0x0  }
0x9b: {  	s3 =	rddreg [dreg:$0x2];
	[bflag:$0x3] =	sbarrier.arrive $0xFFFF;
	s2 =	simm.s32 @!p0 $0x1C07  }
0x9c: {  	[timem:s3], [sflag:s2] =	dma.local @!p0 [hbm:s0], s1  }
0x9d: {  	s0 =	simm.s32 @!p0 $0x7  }
0x9e: {  	_ =	swait.ge @!p0 [sflag:s0], s1  }
0x9f: {  	s1 =	ssub.s32 @!p0 $0x0, s1;
	[sflag:s0] =	ssyncset.done @!p0 $0x0  }
0xa0: {  	[sflag:s0] =	ssyncadd.s32 @!p0 s1  }
0xa1: {  	[bflag:$0x3] =	sbarrier.arrive $0xFFFF  }
0xa2: {  	_ =	shalt  }

// kernel: kernel.14.cloned.1.call-start
scs
__scs_entry_jumppad:
0x0: {  	(pc) =	sbr.rel $0x88, $3  }
0x1: {  	(tag) =	ssettag $0x0;
	lr =	simm.s32 $0x1  }
0x2: {  	[smem:$0x3F9B] =	sst lr;
	_ =	strace $0xD0000000  }
0x3: {  	_ = 	snop  }
0x4: {  	_ = 	snop  }
0x5: {  	_ = 	snop  }
0x6: {  	_ = 	snop  }
0x7: {  	_ = 	snop  }
__scs_overlays_trampoline_lowered:
0x8: {  	[smem:$0x3FAA] =	sst s0  }
0x9: {  	[smem:$0x3FAB] =	sst s1  }
0xa: {  	[smem:$0x3FAC] =	sst s2  }
0xb: {  	[smem:$0x3FAD] =	sst s3  }
0xc: {  	[smem:$0x3FAE] =	sst s4  }
0xd: {  	[smem:$0x3FAF] =	sst s5  }
0xe: {  	[smem:$0x3FB0] =	sst s6  }
0xf: {  	[smem:$0x3FB1] =	sst s7  }
0x10: {  	[smem:$0x3FB2] =	sst s8  }
0x11: {  	[smem:$0x3FB3] =	sst s9;
	s0 =	simm.s32 @!p0 $0x0  }
0x12: {  	s1 =	sld [smem:$0x3F99];
	s0 =	simm.s32 @p0 $0x1  }
0x13: {  	[smem:$0x3FB4] =	sst s0;
	s0 =	simm.s32 @!p1 $0x0  }
0x14: {  	s2 =	sld [smem:$0x3F98];
	s0 =	simm.s32 @p1 $0x1  }
0x15: {  	[smem:$0x3FB5] =	sst s0;
	s0 =	simm.s32 @!p2 $0x0  }
0x16: {  	s3 =	sld [smem:$0x3FDB];
	s0 =	simm.s32 @p2 $0x1  }
0x17: {  	s4 =	simm.s32 $0x1BF5;
	[smem:$0x3FB7] =	sst s0  }
0x18: {  	s0 =	sld [smem:$0x3F9A];
	_ =	swait.ge [sflag:s4], $0x0  }
0x19: {  	s7 =	sld [smem:$0x3F9B]  }
0x1a: {  	s8 =	sadd.s32 $0xFFFFE003, lr  }
0x1b: {  	s9 =	sadd.s32 $0xFFFFFEF7, lr;
	s5 =	simm.s32 $0xFFFFFFFF;
	p2 =	slt.u32 s8, $0xFFFFF086  }
0x1c: {  	p1 =	slt.u32 s9, $0xF7A;
	s5 =	simm.s32 @!p2 $0x0  }
0x1d: {  	s5 =	simm.s32 @p1 $0x1;
	p0 =	seq.s32 s7, s2  }
0x1e: {  	s7 =	smul.u32 @!p0 $0xF7A, s2;
	p2 =	seq.s32 @!p0 s5, $0x0  }
0x1f: {  	s9 =	smul.u32 $0xF7A, s1;
	s8 =	simm.s32 @!p0 $0x1BF5;
	p2 =	por !p2, p0  }
0x20: {  	[sflag:s8] =	ssyncset.s32 @!p0 $0xFFFFF086;
	s6 =	sadd.s32 @!p0 s3, s7;
	s7 =	simm.s32 @!p0 $0x108  }
0x21: {  	s3 =	sadd.s32 s3, s9;
	s6 =	sadd.s32 @!p0 $0x88, s6;
	s7 =	simm.s32 @p2 $0x1082  }
0x22: {  	[simem:s7], [sflag:s8] =	dma.local @!p0 [hbm:s6], $0xF7A  }
0x23: {  	s9 =	sor.u32 $0xD0000000, s2;
	s6 =	simm.s32 $0x108;
	_ =	swait.ge @!p0 [sflag:s8], $0x0  }
0x24: {  	s3 =	sadd.s32 $0x88, s3;
	s6 =	simm.s32 @!p1 $0x1082;
	[sflag:s4] =	ssyncset.s32 $0xFFFFF086  }
0x25: {  	[simem:s6], [sflag:s4] =	dma.local [hbm:s3], $0xF7A  }
0x26: {  	[smem:$0x3F9B] =	sst s1;
	(tag) =	ssettag s2;
	_ =	strace s9  }
0x27: {  	s1 =	sld [smem:$0x3FAB]  }
0x28: {  	s2 =	sld [smem:$0x3FAC]  }
0x29: {  	s4 =	sld [smem:$0x3FAE]  }
0x2a: {  	p0 =	seq.s32 s5, $0x0;
	s5 =	sld [smem:$0x3FAF]  }
0x2b: {  	s6 =	sld [smem:$0x3FB0]  }
0x2c: {  	s7 =	sld [smem:$0x3FB1]  }
0x2d: {  	s3 =	simm.s32 $0x108;
	s8 =	sld [smem:$0x3FB2]  }
0x2e: {  	s3 =	simm.s32 @!p0 $0x1082;
	s9 =	sld [smem:$0x3FB3]  }
0x2f: {  	lr =	sadd.s32 s0, s3;
	s0 =	sld [smem:$0x3FAA]  }
0x30: {  	s3 =	sld [smem:$0x3FAD]  }
0x31: {  	[smem:$0x3FB6] =	sst s10  }
0x32: {  	s10 =	sld [smem:$0x3FB4];
	_ =	sdelay $0x3  }
0x33: {  	p0 =	seq.s32 s10, $0x1;
	s10 =	sld [smem:$0x3FB6];
	_ =	sdelay $0x3  }
0x34: {  	[smem:$0x3FB6] =	sst s10  }
0x35: {  	s10 =	sld [smem:$0x3FB5];
	_ =	sdelay $0x3  }
0x36: {  	p1 =	seq.s32 s10, $0x1;
	s10 =	sld [smem:$0x3FB6];
	_ =	sdelay $0x3  }
0x37: {  	[smem:$0x3FB6] =	sst s10  }
0x38: {  	s10 =	sld [smem:$0x3FB7]  }
0x39: {  	_ = 	snop;
	(pc) =	sbr.ind lr, $3  }
0x3a: {  	_ = 	snop  }
0x3b: {  	_ = 	snop  }
0x3c: {  	p2 =	seq.s32 s10, $0x1;
	s10 =	sld [smem:$0x3FB6]  }
0x3d: {  	_ =	shalt  }
0x3e: {  	_ =	shalt  }
0x3f: {  	_ =	shalt  }
0x40: {  	_ =	shalt  }
0x41: {  	_ =	shalt  }
0x42: {  	_ =	shalt  }
0x43: {  	_ =	shalt  }
0x44: {  	_ =	shalt  }
0x45: {  	_ =	shalt  }
0x46: {  	_ =	shalt  }
0x47: {  	_ =	shalt  }
0x48: {  	_ =	shalt  }
0x49: {  	_ =	shalt  }
0x4a: {  	_ =	shalt  }
0x4b: {  	_ =	shalt  }
0x4c: {  	_ =	shalt  }
0x4d: {  	_ =	shalt  }
0x4e: {  	_ =	shalt  }
0x4f: {  	_ =	shalt  }
0x50: {  	_ =	shalt  }
0x51: {  	_ =	shalt  }
0x52: {  	_ =	shalt  }
0x53: {  	_ =	shalt  }
0x54: {  	_ =	shalt  }
0x55: {  	_ =	shalt  }
0x56: {  	_ =	shalt  }
0x57: {  	_ =	shalt  }
0x58: {  	_ =	shalt  }
0x59: {  	_ =	shalt  }
0x5a: {  	_ =	shalt  }
0x5b: {  	_ =	shalt  }
0x5c: {  	_ =	shalt  }
0x5d: {  	_ =	shalt  }
0x5e: {  	_ =	shalt  }
0x5f: {  	_ =	shalt  }
0x60: {  	_ =	shalt  }
0x61: {  	_ =	shalt  }
0x62: {  	_ =	shalt  }
0x63: {  	_ =	shalt  }
0x64: {  	_ =	shalt  }
0x65: {  	_ =	shalt  }
0x66: {  	_ =	shalt  }
0x67: {  	_ =	shalt  }
0x68: {  	_ =	shalt  }
0x69: {  	_ =	shalt  }
0x6a: {  	_ =	shalt  }
0x6b: {  	_ =	shalt  }
0x6c: {  	_ =	shalt  }
0x6d: {  	_ =	shalt  }
0x6e: {  	_ =	shalt  }
0x6f: {  	_ =	shalt  }
0x70: {  	_ =	shalt  }
0x71: {  	_ =	shalt  }
0x72: {  	_ =	shalt  }
0x73: {  	_ =	shalt  }
0x74: {  	_ =	shalt  }
0x75: {  	_ =	shalt  }
0x76: {  	_ =	shalt  }
0x77: {  	_ =	shalt  }
0x78: {  	_ =	shalt  }
0x79: {  	_ =	shalt  }
0x7a: {  	_ =	shalt  }
0x7b: {  	_ =	shalt  }
0x7c: {  	_ =	shalt  }
0x7d: {  	_ =	shalt  }
0x7e: {  	_ =	shalt  }
0x7f: {  	_ =	shalt  }
0x80: {  	_ =	shalt  }
0x81: {  	_ =	shalt  }
0x82: {  	_ =	shalt  }
0x83: {  	_ =	shalt  }
0x84: {  	_ =	shalt  }
0x85: {  	_ =	shalt  }
0x86: {  	_ =	shalt  }
0x87: {  	_ =	shalt  }
.Lfunc_end0:
.L_simem_size_0:
called_computation.2_lowered:
.L_overlay_start_0:
0x88: {  	s2 =	sld [smem:$0x3FD9]  }
0x89: {  	s3 =	sld [smem:$0x3FFE];
	_ =	sdelay $0x1  }
0x8a: {  	s1 =	srdreg.scid  }
0x8b: {  	s0 =	sand.u32 $0x1, s1  }
0x8c: {  	s17 =	sshll.u32 s0, $0xA;
	s2 =	sadd.s32 s3, s2  }
0x8d: {  	s2 =	sadd.s32 s2, s17  }
0x8e: {  	[smem:$0x3FC2] =	sst s2  }
0x8f: {  	_ = 	snop  }
0x90: {  	s2 =	sld [smem:$0x3FD0];
	(tm) =	ssettm $0x1  }
0x91: {  	s18 =	sld [smem:$0x3FFB];
	_ =	sdelay $0x3  }
0x92: {  	_ =	strace s18  }
0x93: {  	s3 =	sld [smem:$0x3FFC];
	_ =	sdelay $0x3  }
0x94: {  	_ =	strace s3  }
0x95: {  	s3 =	sld [smem:$0x3FFD];
	_ =	sdelay $0x3  }
0x96: {  	_ =	strace s3  }
0x97: {  	_ =	strace $0x8FFFFFFF  }
0x98: {  	s19 =	sld [smem:$0x3FDB];
	_ =	sdelay $0x1  }
0x99: {  	s4 =	simm.s32 $_scs_section_size  }
0x9a: {  	s5 =	simm.s32 $_size__tile_overlayer_lowered;
	s6 =	simm.s32 $_tile_overlayer_lowered  }
0x9b: {  	s22 =	simm.s32 $0x1BFF;
	s21 =	sshll.u32 s6, $0x1;
	s3 =	sadd.s32 s4, s19  }
0x9c: {  	s7 =	simm.s32 $0x0;
	s20 =	sshll.u32 s5, $0x1;
	s5 =	sadd.s32 s21, s3  }
0x9d: {  	[timem:s7], [sflag:s22] =	dma.local [hbm:s5], s20  }
0x9e: {  	_ =	swait.ge [sflag:s22], s20  }
0x9f: {  	s4 =	ssub.s32 $0x0, s20;
	[sflag:s22] =	ssyncset.done $0x0  }
0xa0: {  	[sflag:s22] =	ssyncadd.s32 s4;
	_ =	sdelay $0x1  }
0xa1: {  	s23 =	simm.s32 $0x1B8B  }
0xa2: {  	_ =	swait.ge [sflag:s23], $0x1  }
0xa3: {  	[sflag:s23] =	ssyncset.done $0x0  }
0xa4: {  	s25 =	simm.s32 $0x1B8E;
	s24 =	sld [smem:$0x3FFE];
	[sflag:s23] =	ssyncadd.s32 $0xFFFFFFFF  }
0xa5: {  	s26 =	simm.s32 $execute0_lowered;
	[smem:$0x3FD2] =	sst s25  }
0xa6: {  	s5 =	sshll.u32 s26, $0x1;
	_ =	strace $0x8000004C;
	[dreg:$0x1] =	wrdreg $0xFFFFFFFF  }
0xa7: {  	s28 =	simm.s32 $_size_execute0_lowered;
	s3 =	sadd.s32 s3, s5;
	[dreg:$0x0] =	wrdreg $0x0  }
0xa8: {  	s5 =	sshll.u32 s28, $0x1;
	[dreg:$0x2] =	wrdreg s3  }
0xa9: {  	[dreg:$0x3] =	wrdreg s5  }
0xaa: {  	[dreg:$0x4] =	wrdreg $0xC0  }
0xab: {  	_ =	task [dreg:s7], $0x5FFFF  }
0xac: {  	[dreg:$0x1] =	wrdreg $0xFFFFFFFF  }
0xad: {  	[dreg:$0x0] =	wrdreg $0x60  }
0xae: {  	[dreg:$0x2] =	wrdreg s24  }
0xaf: {  	[dreg:$0x3] =	wrdreg s2  }
0xb0: {  	[dreg:$0x4] =	wrdreg $0xA9000  }
0xb1: {  	[dreg:$0x5] =	wrdreg $0x9  }
0xb2: {  	_ =	task.clear_ibuf [dreg:s7], $0x6FFFF;
	_ =	strace $0x9000004C  }
0xb3: {  	s29 =	simm.s32 $0x9;
	_ =	strace $0x8000004E  }
0xb4: {  	_ =	swait.ge [sflag:s29], $0x1  }
0xb5: {  	[sflag:s29] =	ssyncadd.s32 $0xFFFFFFFF  }
0xb6: {  	_ =	strace $0x9000004E  }
0xb7: {  	_ =	sfence  }
0xb8: {  	s30 =	sld [smem:$0x0];
	_ =	sdelay $0x2  }
0xb9: {  	s31 =	sshll.u32 s1, $0xD;
	s1 =	sshrl.u32 s1, $0x2  }
0xba: {  	s3 =	sand.u32 $0x4000, s31;
	s1 =	sadd.s32 s1, s30  }
0xbb: {  	s0 =	sor.u32 s3, s0;
	s1 =	sshll.u32 s1, $0x11  }
0xbc: {  	s0 =	sor.u32 s1, s0  }
0xbd: {  	s0 =	sadd.s32 $0x8F2B, s0  }
0xbe: {  	[sflag:s0] =	ssyncadd.remote.s32 $0x1  }
0xbf: {  	_ =	sfence.sel $0xFFFF  }
0xc0: {  	[dreg:$0x0] =	wrdreg $0xFFFFFFFF;
	(pc) =	sbr.abs _section_cstart, $3  }
0xc1: {  	[dreg:$0x1] =	wrdreg $0xFFFFFFFF  }
0xc2: {  	_ =	task.clear_ibuf [dreg:s7], $0x2FFFF;
	_ =	strace $0x9FFFFFFF  }
0xc3: {  	(tm) =	ssettm $0x7FFFFFFF  }
tec
execute0_lowered:
.L_overlay_start_1:
0x0: {  	(tag) =	ssettag $0x1  }
0x1: {  	s0 =	rddreg [dreg:$0x0]  }
0x2: {  	s1 =	rddreg [dreg:$0x1]  }
0x3: {  	s2 =	rddreg [dreg:$0x2];
	s3 =	simm.s32 $0x0;
	s11 =	stileid.u32  }
0x4: {  	s4 =	srdreg.scid;
	s17 =	simm.s32 $0x100;
	s19 =	simm.s32 $0x1  }
0x5: {  	s20 =	simm.s32 $0x5;
	s21 =	simm.s32 $0x80;
	s22 =	simm.s32 $0x2900  }
0x6: {  	s23 =	simm.s32 $0x3;
	s28 =	simm.s32 $0x6;
	s5 =	smul.u32 $0x500, s11  }
0x7: {  	[smem:$0x7FF] =	sst s3;
	s6 =	sand.u32 $0x1, s4;
	s7 =	smul.u32 $0x2800, s11  }
0x8: {  	s4 =	sadd.s32 $0x7000, s0;
	s24 =	sadd.s32 $0x57000, s0;
	s26 =	smul.u32 $0x50000, s11  }
0x9: {  	_ =	strace $0x8000004D;
	s8 =	sshll.u32 s6, $0x4;
	s10 =	smul.u32 $0x28000, s6  }
0xa: {  	[dreg:$0x4] =	wrdreg s24;
	s6 =	ssub.s32 $0x2, s6;
	s24 =	simm.s32 $0x2  }
0xb: {  	s9 =	sadd.s32 s5, s0;
	s8 =	sor.u32 s11, s8;
	s25 =	sshrl.u32 s6, $0x1  }
0xc: {  	s29 =	sshrl.u32 s26, $0x2;
	s26 =	simm.s32 $0x4;
	s8 =	smul.u32 $0x2800, s8  }
0xd: {  	s14 =	sadd.s32 s7, s10;
	s13 =	ssub.s32 s6, s25;
	s6 =	sadd.s32 $0x2000, s9  }
0xe: {  	s7 =	sshll.u32 s11, $0x6;
	s18 =	sadd.s32 s29, s2;
	s25 =	simm.s32 $0x6900  }
0xf: {  	s0 =	sadd.s32 s14, s0;
	s13 =	smax.u32 s13, $0x1;
	s31 =	sor.u32 $0x180, s14  }
0x10: {  	s15 =	sor.u32 $0x200, s14;
	s18 =	sshrl.u32 s18, $0x3;
	s30 =	sshrl.u32 s8, $0x3  }
0x11: {  	s8 =	sor.u32 $0x1C05, s7;
	s12 =	sadd.s32 $0x59800, s0;
	s0 =	sshrl.u32 s31, $0x3  }
0x12: {  	s16 =	sshrl.u32 s15, $0x3;
	s9 =	sadd.s32 s1, s30;
	s15 =	sadd.s32 s0, s1  }
0x13: {  	s16 =	sadd.s32 s16, s1;
	s0 =	simm.s32 $0x7;
	s1 =	simm.s32 $0x0  }
0x14: {  	s10 =	sadd.s32 $0x10, s9;
	s11 =	sadd.s32 $0x20, s9;
	s14 =	sadd.s32 $0x4F0, s9  }
.LBB2_1:
0x15: {  	[tilespmem:s17], [sflag:$0x1] =	stream.linear.gather [hbm4b:s6+s3], $0x2800, $0x38;
	[tilespmem:$0x1E900] =	vst v63  }
0x16: {  	s5 =	rddreg [dreg:$0x4]  }
0x17: {  	[spmem:s18], [sflag:s8] =	dma.local [hbm:s5], $0x2800  }
0x18: {  	_ =	swait.ge [sflag:s19], $0x2800  }
0x19: {  	[sflag:s19] =	ssyncset.done $0x0  }
0x1a: {  	[sflag:s19] =	ssyncadd.s32 $0xFFFFD800  }
0x1b: {  	_ =	swait.ge [sflag:s20], $0x2800  }
0x1c: {  	[sflag:s20] =	ssyncset.done $0x0  }
0x1d: {  	[sflag:s20] =	ssyncadd.s32 $0xFFFFD800  }
0x1e: {  	[bflag:$0x0] =	sbarrier.arrive $0xFFFF  }
0x1f: {  	[tilespmem:s3], [sflag:$0x1] =	stream.linear.gather [hbm4b:s9+s3], $0x80, $0x38;
	[tilespmem:$0x1E900] =	vst v63  }
0x20: {  	_ = 	snop  }
0x21: {  	[tilespmem:s21], [sflag:$0x2] =	stream.linear.gather [hbm4b:s10+s3], $0x80, $0x38;
	[tilespmem:$0x1E900] =	vst v63  }
0x22: {  	_ =	swait.ge [sflag:s19], $0x80  }
0x23: {  	[sflag:s19] =	ssyncset.done $0x0  }
0x24: {  	[sflag:s19] =	ssyncadd.s32 $0xFFFFFF80  }
0x25: {  	[tilespmem:s22], [sflag:$0x3] =	stream.indirect.gather [hbm4b:s4+s21], $0x80, s3, s21, $0xb8;
	[tilespmem:$0x1E900] =	vst v63  }
0x26: {  	_ =	swait.ge [sflag:s23], $0x4000  }
0x27: {  	[sflag:s23] =	ssyncset.done $0x0  }
0x28: {  	[sflag:s23] =	ssyncadd.s32 $0xFFFFC000  }
0x29: {  	[spmem:s2] =	stream.indirect.scatter.add.f32 [tilespmem:s22], [sflag:$0x5], $0x80, s17, s21, $0xb8;
	[tilespmem:$0x1E900] =	vst v63  }
0x2a: {  	_ = 	snop  }
0x2b: {  	[tilespmem:s3], [sflag:$0x1] =	stream.linear.gather [hbm4b:s11+s3], $0x80, $0x38;
	[tilespmem:$0x1E900] =	vst v63  }
0x2c: {  	_ =	swait.ge [sflag:s24], $0x80  }
0x2d: {  	[sflag:s24] =	ssyncset.done $0x0  }
0x2e: {  	[sflag:s24] =	ssyncadd.s32 $0xFFFFFF80  }
0x2f: {  	[tilespmem:s25], [sflag:$0x4] =	stream.indirect.gather [hbm4b:s4+s21], $0x80, s21, s21, $0xb8;
	[tilespmem:$0x1E900] =	vst v63  }
0x30: {  	_ =	swait.ge [sflag:s26], $0x4000  }
0x31: {  	[sflag:s26] =	ssyncset.done $0x0  }
0x32: {  	s29 =	simm.s32 $0x180;
	[sflag:s26] =	ssyncadd.s32 $0xFFFFC000  }
0x33: {  	[spmem:s2] =	stream.indirect.scatter.add.f32 [tilespmem:s25], [sflag:$0x6], $0x80, s29, s21, $0xb8;
	[tilespmem:$0x1E900] =	vst v63  }
0x34: {  	s29 =	sadd.s32 $0x0, s15  }
0x35: {  	[tilespmem:s21], [sflag:$0x2] =	stream.linear.gather [hbm4b:s29+s3], $0x80, $0x38;
	[tilespmem:$0x1E900] =	vst v63  }
0x36: {  	_ =	swait.ge [sflag:s20], $0x4000  }
0x37: {  	[sflag:s20] =	ssyncset.done $0x0  }
0x38: {  	[sflag:s20] =	ssyncadd.s32 $0xFFFFC000  }
0x39: {  	_ =	swait.ge [sflag:s19], $0x80  }
0x3a: {  	[sflag:s19] =	ssyncset.done $0x0  }
0x3b: {  	[sflag:s19] =	ssyncadd.s32 $0xFFFFFF80  }
0x3c: {  	[tilespmem:s22], [sflag:$0x3] =	stream.indirect.gather [hbm4b:s4+s21], $0x80, s3, s21, $0xb8;
	[tilespmem:$0x1E900] =	vst v63  }
0x3d: {  	_ =	swait.ge [sflag:s23], $0x4000  }
0x3e: {  	[sflag:s23] =	ssyncset.done $0x0  }
0x3f: {  	s29 =	simm.s32 $0x200;
	[sflag:s23] =	ssyncadd.s32 $0xFFFFC000  }
0x40: {  	[spmem:s2] =	stream.indirect.scatter.add.f32 [tilespmem:s22], [sflag:$0x5], $0x80, s29, s21, $0xb8;
	[tilespmem:$0x1E900] =	vst v63  }
0x41: {  	s29 =	sadd.s32 $0x0, s16  }
0x42: {  	[tilespmem:s3], [sflag:$0x1] =	stream.linear.gather [hbm4b:s29+s3], $0x80, $0x38;
	[tilespmem:$0x1E900] =	vst v63  }
0x43: {  	_ =	swait.ge [sflag:s28], $0x4000  }
0x44: {  	[sflag:s28] =	ssyncset.done $0x0  }
0x45: {  	[sflag:s28] =	ssyncadd.s32 $0xFFFFC000  }
0x46: {  	_ =	swait.ge [sflag:s24], $0x80  }
0x47: {  	[sflag:s24] =	ssyncset.done $0x0  }
0x48: {  	s30 =	simm.s32 $0x300;
	s29 =	simm.s32 $0x20;
	[sflag:s24] =	ssyncadd.s32 $0xFFFFFF80  }
.LBB2_2:
0x49: {  	[tilespmem:s25], [sflag:$0x4] =	stream.indirect.gather [hbm4b:s4+s21], $0x80, s21, s21, $0xb8;
	[tilespmem:$0x1E900] =	vst v63  }
0x4a: {  	s31 =	smov.u32 s29  }
0x4b: {  	p0 =	sne.s32 s29, $0x4A0;
	s29 =	sadd.s32 $0x20, s29;
	_ =	swait.ge [sflag:s26], $0x4000  }
0x4c: {  	[sflag:s26] =	ssyncset.done $0x0  }
0x4d: {  	s5 =	sadd.s32 $0xFFFFFF80, s30;
	[sflag:s26] =	ssyncadd.s32 $0xFFFFC000  }
0x4e: {  	[spmem:s2] =	stream.indirect.scatter.add.f32 [tilespmem:s25], [sflag:$0x6], $0x80, s5, s21, $0xb8;
	[tilespmem:$0x1E900] =	vst v63  }
0x4f: {  	s5 =	sadd.s32 s31, s15  }
0x50: {  	[tilespmem:s21], [sflag:$0x2] =	stream.linear.gather [hbm4b:s5+s3], $0x80, $0x38;
	[tilespmem:$0x1E900] =	vst v63  }
0x51: {  	_ =	swait.ge [sflag:s20], $0x4000  }
0x52: {  	[sflag:s20] =	ssyncset.done $0x0  }
0x53: {  	[sflag:s20] =	ssyncadd.s32 $0xFFFFC000  }
0x54: {  	_ =	swait.ge [sflag:s19], $0x80  }
0x55: {  	[sflag:s19] =	ssyncset.done $0x0  }
0x56: {  	[sflag:s19] =	ssyncadd.s32 $0xFFFFFF80  }
0x57: {  	[tilespmem:s22], [sflag:$0x3] =	stream.indirect.gather [hbm4b:s4+s21], $0x80, s3, s21, $0xb8;
	[tilespmem:$0x1E900] =	vst v63  }
0x58: {  	_ =	swait.ge [sflag:s23], $0x4000  }
0x59: {  	[sflag:s23] =	ssyncset.done $0x0  }
0x5a: {  	[sflag:s23] =	ssyncadd.s32 $0xFFFFC000  }
0x5b: {  	[spmem:s2] =	stream.indirect.scatter.add.f32 [tilespmem:s22], [sflag:$0x5], $0x80, s30, s21, $0xb8;
	[tilespmem:$0x1E900] =	vst v63  }
0x5c: {  	s5 =	sadd.s32 s31, s16  }
0x5d: {  	[tilespmem:s3], [sflag:$0x1] =	stream.linear.gather [hbm4b:s5+s3], $0x80, $0x38;
	[tilespmem:$0x1E900] =	vst v63  }
0x5e: {  	_ =	swait.ge [sflag:s28], $0x4000  }
.Ltmp0:
0x5f: {  	[sflag:s28] =	ssyncset.done $0x0;
	(pc) =	sbr.rel @p0 .LBB2_2-.Ltmp0, $4  }
0x60: {  	[sflag:s28] =	ssyncadd.s32 $0xFFFFC000  }
0x61: {  	_ =	swait.ge [sflag:s24], $0x80  }
0x62: {  	[sflag:s24] =	ssyncset.done $0x0  }
0x63: {  	s30 =	sadd.s32 $0x100, s30;
	[sflag:s24] =	ssyncadd.s32 $0xFFFFFF80  }
0x64: {  	[tilespmem:s25], [sflag:$0x4] =	stream.indirect.gather [hbm4b:s4+s21], $0x80, s21, s21, $0xb8;
	[tilespmem:$0x1E900] =	vst v63  }
0x65: {  	_ =	swait.ge [sflag:s26], $0x4000  }
0x66: {  	[sflag:s26] =	ssyncset.done $0x0  }
0x67: {  	s5 =	simm.s32 $0x2780;
	[sflag:s26] =	ssyncadd.s32 $0xFFFFC000  }
0x68: {  	[spmem:s2] =	stream.indirect.scatter.add.f32 [tilespmem:s25], [sflag:$0x6], $0x80, s5, s21, $0xb8;
	[tilespmem:$0x1E900] =	vst v63  }
0x69: {  	_ = 	snop  }
0x6a: {  	[tilespmem:s21], [sflag:$0x2] =	stream.linear.gather [hbm4b:s14+s3], $0x80, $0x38;
	[tilespmem:$0x1E900] =	vst v63  }
0x6b: {  	_ =	swait.ge [sflag:s20], $0x4000  }
0x6c: {  	[sflag:s20] =	ssyncset.done $0x0  }
0x6d: {  	[sflag:s20] =	ssyncadd.s32 $0xFFFFC000  }
0x6e: {  	_ =	swait.ge [sflag:s19], $0x80  }
0x6f: {  	[sflag:s19] =	ssyncset.done $0x0  }
0x70: {  	[sflag:s19] =	ssyncadd.s32 $0xFFFFFF80  }
0x71: {  	[tilespmem:s22], [sflag:$0x3] =	stream.indirect.gather [hbm4b:s4+s21], $0x80, s3, s21, $0xb8;
	[tilespmem:$0x1E900] =	vst v63  }
0x72: {  	_ =	swait.ge [sflag:s23], $0x4000  }
0x73: {  	[sflag:s23] =	ssyncset.done $0x0  }
0x74: {  	s29 =	simm.s32 $0x2800;
	[sflag:s23] =	ssyncadd.s32 $0xFFFFC000  }
0x75: {  	[spmem:s2] =	stream.indirect.scatter.add.f32 [tilespmem:s22], [sflag:$0x5], $0x80, s29, s21, $0xb8;
	[tilespmem:$0x1E900] =	vst v63  }
0x76: {  	_ = 	snop  }
0x77: {  	[tilespmem:s3], [sflag:$0x1] =	stream.linear.gather [hbm4b:s14+s3], $0x80, $0x38;
	[tilespmem:$0x1E900] =	vst v63  }
0x78: {  	_ =	swait.ge [sflag:s28], $0x4000  }
0x79: {  	[sflag:s28] =	ssyncset.done $0x0  }
0x7a: {  	[sflag:s28] =	ssyncadd.s32 $0xFFFFC000  }
0x7b: {  	_ =	swait.ge [sflag:s24], $0x80  }
0x7c: {  	[sflag:s24] =	ssyncset.done $0x0  }
0x7d: {  	[sflag:s24] =	ssyncadd.s32 $0xFFFFFF80  }
0x7e: {  	[tilespmem:s25], [sflag:$0x4] =	stream.indirect.gather [hbm4b:s4+s21], $0x80, s21, s21, $0xb8;
	[tilespmem:$0x1E900] =	vst v63  }
0x7f: {  	_ =	swait.ge [sflag:s26], $0x4000  }
0x80: {  	[sflag:s26] =	ssyncset.done $0x0  }
0x81: {  	s30 =	simm.s32 $0x2880;
	[sflag:s26] =	ssyncadd.s32 $0xFFFFC000  }
0x82: {  	[spmem:s2] =	stream.indirect.scatter.add.f32 [tilespmem:s25], [sflag:$0x6], $0x80, s30, s21, $0xb8;
	[tilespmem:$0x1E900] =	vst v63  }
0x83: {  	_ =	swait.ge [sflag:s20], $0x4000  }
0x84: {  	[sflag:s20] =	ssyncset.done $0x0  }
0x85: {  	[sflag:s20] =	ssyncadd.s32 $0xFFFFC000  }
0x86: {  	_ =	swait.ge [sflag:s28], $0x4000  }
0x87: {  	[sflag:s28] =	ssyncset.done $0x0  }
0x88: {  	[sflag:s28] =	ssyncadd.s32 $0xFFFFC000  }
0x89: {  	_ =	swait.ge [sflag:s19], $0x80  }
0x8a: {  	s1 =	sadd.s32 $0x1, s1;
	[sflag:s19] =	ssyncset.done $0x0  }
0x8b: {  	p0 =	sne.s32 s1, s13;
	[sflag:s19] =	ssyncadd.s32 $0xFFFFFF80  }
.Ltmp1:
0x8c: {  	s31 =	sor.u32 $0x1C07, s7;
	[bflag:$0x0] =	sbarrier.arrive $0xFFFF;
	(pc) =	sbr.rel @p0 .LBB2_1-.Ltmp1, $4  }
0x8d: {  	[hbm:s12], [sflag:s31] =	dma.local [spmem:s18], $0x2800  }
0x8e: {  	_ =	swait.ge [sflag:s0], $0x2800  }
0x8f: {  	[sflag:s0] =	ssyncset.done $0x0  }
0x90: {  	[sflag:s0] =	ssyncadd.s32 $0xFFFFD800  }
0x91: {  	_ =	sfence.sel $0x180000  }
0x92: {  	[bflag:$0x0] =	sbarrier.arrive $0xFFFF  }
0x93: {  	_ =	strace $0x9000004D  }
0x94: {  	s0 =	stileid.u32;
	[bflag:$0x2] =	sbarrier.arrive $0xFFFF  }
0x95: {  	p0 =	sne.s32 s0, $0x0;
	s0 =	rddreg [dreg:$0x3]  }
0x96: {  	s0 =	sadd.s32 @!p0 $0x100000, s0  }
0x97: {  	[sflag:s0] =	ssyncadd.tile.s32 @!p0 $0x1;
	_ =	shalt  }
.Lfunc_end2:
_tile_overlayer_lowered:
.L_overlay_start_2:
0x98: {  	(tag) =	ssettag $0x2  }
0x99: {  	s0 =	rddreg [dreg:$0x0];
	s2 =	stileid.u32  }
0x9a: {  	s1 =	rddreg [dreg:$0x1];
	p0 =	sne.s32 s2, $0x0  }
0x9b: {  	s3 =	rddreg [dreg:$0x2];
	[bflag:$0x3] =	sbarrier.arrive $0xFFFF;
	s2 =	simm.s32 @!p0 $0x1C07  }
0x9c: {  	[timem:s3], [sflag:s2] =	dma.local @!p0 [hbm:s0], s1  }
0x9d: {  	s0 =	simm.s32 @!p0 $0x7  }
0x9e: {  	_ =	swait.ge @!p0 [sflag:s0], s1  }
0x9f: {  	s1 =	ssub.s32 @!p0 $0x0, s1;
	[sflag:s0] =	ssyncset.done @!p0 $0x0  }
0xa0: {  	[sflag:s0] =	ssyncadd.s32 @!p0 s1  }
0xa1: {  	[bflag:$0x3] =	sbarrier.arrive $0xFFFF  }
0xa2: {  	_ =	shalt  }

// kernel: kernel.8.cloned.1.call-start
scs
__scs_entry_jumppad:
0x0: {  	(pc) =	sbr.rel $0x88, $3  }
0x1: {  	(tag) =	ssettag $0x0;
	lr =	simm.s32 $0x1  }
0x2: {  	[smem:$0x3F9B] =	sst lr;
	_ =	strace $0xD0000000  }
0x3: {  	_ = 	snop  }
0x4: {  	_ = 	snop  }
0x5: {  	_ = 	snop  }
0x6: {  	_ = 	snop  }
0x7: {  	_ = 	snop  }
__scs_overlays_trampoline_lowered:
0x8: {  	[smem:$0x3FAA] =	sst s0  }
0x9: {  	[smem:$0x3FAB] =	sst s1  }
0xa: {  	[smem:$0x3FAC] =	sst s2  }
0xb: {  	[smem:$0x3FAD] =	sst s3  }
0xc: {  	[smem:$0x3FAE] =	sst s4  }
0xd: {  	[smem:$0x3FAF] =	sst s5  }
0xe: {  	[smem:$0x3FB0] =	sst s6  }
0xf: {  	[smem:$0x3FB1] =	sst s7  }
0x10: {  	[smem:$0x3FB2] =	sst s8  }
0x11: {  	[smem:$0x3FB3] =	sst s9;
	s0 =	simm.s32 @!p0 $0x0  }
0x12: {  	s1 =	sld [smem:$0x3F99];
	s0 =	simm.s32 @p0 $0x1  }
0x13: {  	[smem:$0x3FB4] =	sst s0;
	s0 =	simm.s32 @!p1 $0x0  }
0x14: {  	s2 =	sld [smem:$0x3F98];
	s0 =	simm.s32 @p1 $0x1  }
0x15: {  	[smem:$0x3FB5] =	sst s0;
	s0 =	simm.s32 @!p2 $0x0  }
0x16: {  	s3 =	sld [smem:$0x3FDB];
	s0 =	simm.s32 @p2 $0x1  }
0x17: {  	s4 =	simm.s32 $0x1BF5;
	[smem:$0x3FB7] =	sst s0  }
0x18: {  	s0 =	sld [smem:$0x3F9A];
	_ =	swait.ge [sflag:s4], $0x0  }
0x19: {  	s7 =	sld [smem:$0x3F9B]  }
0x1a: {  	s8 =	sadd.s32 $0xFFFFE003, lr  }
0x1b: {  	s9 =	sadd.s32 $0xFFFFFEF7, lr;
	s5 =	simm.s32 $0xFFFFFFFF;
	p2 =	slt.u32 s8, $0xFFFFF086  }
0x1c: {  	p1 =	slt.u32 s9, $0xF7A;
	s5 =	simm.s32 @!p2 $0x0  }
0x1d: {  	s5 =	simm.s32 @p1 $0x1;
	p0 =	seq.s32 s7, s2  }
0x1e: {  	s7 =	smul.u32 @!p0 $0xF7A, s2;
	p2 =	seq.s32 @!p0 s5, $0x0  }
0x1f: {  	s9 =	smul.u32 $0xF7A, s1;
	s8 =	simm.s32 @!p0 $0x1BF5;
	p2 =	por !p2, p0  }
0x20: {  	[sflag:s8] =	ssyncset.s32 @!p0 $0xFFFFF086;
	s6 =	sadd.s32 @!p0 s3, s7;
	s7 =	simm.s32 @!p0 $0x108  }
0x21: {  	s3 =	sadd.s32 s3, s9;
	s6 =	sadd.s32 @!p0 $0x88, s6;
	s7 =	simm.s32 @p2 $0x1082  }
0x22: {  	[simem:s7], [sflag:s8] =	dma.local @!p0 [hbm:s6], $0xF7A  }
0x23: {  	s9 =	sor.u32 $0xD0000000, s2;
	s6 =	simm.s32 $0x108;
	_ =	swait.ge @!p0 [sflag:s8], $0x0  }
0x24: {  	s3 =	sadd.s32 $0x88, s3;
	s6 =	simm.s32 @!p1 $0x1082;
	[sflag:s4] =	ssyncset.s32 $0xFFFFF086  }
0x25: {  	[simem:s6], [sflag:s4] =	dma.local [hbm:s3], $0xF7A  }
0x26: {  	[smem:$0x3F9B] =	sst s1;
	(tag) =	ssettag s2;
	_ =	strace s9  }
0x27: {  	s1 =	sld [smem:$0x3FAB]  }
0x28: {  	s2 =	sld [smem:$0x3FAC]  }
0x29: {  	s4 =	sld [smem:$0x3FAE]  }
0x2a: {  	p0 =	seq.s32 s5, $0x0;
	s5 =	sld [smem:$0x3FAF]  }
0x2b: {  	s6 =	sld [smem:$0x3FB0]  }
0x2c: {  	s7 =	sld [smem:$0x3FB1]  }
0x2d: {  	s3 =	simm.s32 $0x108;
	s8 =	sld [smem:$0x3FB2]  }
0x2e: {  	s3 =	simm.s32 @!p0 $0x1082;
	s9 =	sld [smem:$0x3FB3]  }
0x2f: {  	lr =	sadd.s32 s0, s3;
	s0 =	sld [smem:$0x3FAA]  }
0x30: {  	s3 =	sld [smem:$0x3FAD]  }
0x31: {  	[smem:$0x3FB6] =	sst s10  }
0x32: {  	s10 =	sld [smem:$0x3FB4];
	_ =	sdelay $0x3  }
0x33: {  	p0 =	seq.s32 s10, $0x1;
	s10 =	sld [smem:$0x3FB6];
	_ =	sdelay $0x3  }
0x34: {  	[smem:$0x3FB6] =	sst s10  }
0x35: {  	s10 =	sld [smem:$0x3FB5];
	_ =	sdelay $0x3  }
0x36: {  	p1 =	seq.s32 s10, $0x1;
	s10 =	sld [smem:$0x3FB6];
	_ =	sdelay $0x3  }
0x37: {  	[smem:$0x3FB6] =	sst s10  }
0x38: {  	s10 =	sld [smem:$0x3FB7]  }
0x39: {  	_ = 	snop;
	(pc) =	sbr.ind lr, $3  }
0x3a: {  	_ = 	snop  }
0x3b: {  	_ = 	snop  }
0x3c: {  	p2 =	seq.s32 s10, $0x1;
	s10 =	sld [smem:$0x3FB6]  }
0x3d: {  	_ =	shalt  }
0x3e: {  	_ =	shalt  }
0x3f: {  	_ =	shalt  }
0x40: {  	_ =	shalt  }
0x41: {  	_ =	shalt  }
0x42: {  	_ =	shalt  }
0x43: {  	_ =	shalt  }
0x44: {  	_ =	shalt  }
0x45: {  	_ =	shalt  }
0x46: {  	_ =	shalt  }
0x47: {  	_ =	shalt  }
0x48: {  	_ =	shalt  }
0x49: {  	_ =	shalt  }
0x4a: {  	_ =	shalt  }
0x4b: {  	_ =	shalt  }
0x4c: {  	_ =	shalt  }
0x4d: {  	_ =	shalt  }
0x4e: {  	_ =	shalt  }
0x4f: {  	_ =	shalt  }
0x50: {  	_ =	shalt  }
0x51: {  	_ =	shalt  }
0x52: {  	_ =	shalt  }
0x53: {  	_ =	shalt  }
0x54: {  	_ =	shalt  }
0x55: {  	_ =	shalt  }
0x56: {  	_ =	shalt  }
0x57: {  	_ =	shalt  }
0x58: {  	_ =	shalt  }
0x59: {  	_ =	shalt  }
0x5a: {  	_ =	shalt  }
0x5b: {  	_ =	shalt  }
0x5c: {  	_ =	shalt  }
0x5d: {  	_ =	shalt  }
0x5e: {  	_ =	shalt  }
0x5f: {  	_ =	shalt  }
0x60: {  	_ =	shalt  }
0x61: {  	_ =	shalt  }
0x62: {  	_ =	shalt  }
0x63: {  	_ =	shalt  }
0x64: {  	_ =	shalt  }
0x65: {  	_ =	shalt  }
0x66: {  	_ =	shalt  }
0x67: {  	_ =	shalt  }
0x68: {  	_ =	shalt  }
0x69: {  	_ =	shalt  }
0x6a: {  	_ =	shalt  }
0x6b: {  	_ =	shalt  }
0x6c: {  	_ =	shalt  }
0x6d: {  	_ =	shalt  }
0x6e: {  	_ =	shalt  }
0x6f: {  	_ =	shalt  }
0x70: {  	_ =	shalt  }
0x71: {  	_ =	shalt  }
0x72: {  	_ =	shalt  }
0x73: {  	_ =	shalt  }
0x74: {  	_ =	shalt  }
0x75: {  	_ =	shalt  }
0x76: {  	_ =	shalt  }
0x77: {  	_ =	shalt  }
0x78: {  	_ =	shalt  }
0x79: {  	_ =	shalt  }
0x7a: {  	_ =	shalt  }
0x7b: {  	_ =	shalt  }
0x7c: {  	_ =	shalt  }
0x7d: {  	_ =	shalt  }
0x7e: {  	_ =	shalt  }
0x7f: {  	_ =	shalt  }
0x80: {  	_ =	shalt  }
0x81: {  	_ =	shalt  }
0x82: {  	_ =	shalt  }
0x83: {  	_ =	shalt  }
0x84: {  	_ =	shalt  }
0x85: {  	_ =	shalt  }
0x86: {  	_ =	shalt  }
0x87: {  	_ =	shalt  }
.Lfunc_end0:
.L_simem_size_0:
called_computation_lowered:
.L_overlay_start_0:
0x88: {  	s2 =	sld [smem:$0x3FD9]  }
0x89: {  	s3 =	sld [smem:$0x3FFE];
	_ =	sdelay $0x1  }
0x8a: {  	s1 =	srdreg.scid  }
0x8b: {  	s0 =	sand.u32 $0x1, s1  }
0x8c: {  	s16 =	sshll.u32 s0, $0xA;
	s2 =	sadd.s32 s3, s2  }
0x8d: {  	s2 =	sadd.s32 s2, s16  }
0x8e: {  	[smem:$0x3FC2] =	sst s2  }
0x8f: {  	_ = 	snop  }
0x90: {  	(tm) =	ssettm $0x1  }
0x91: {  	s17 =	sld [smem:$0x3FFB];
	_ =	sdelay $0x3  }
0x92: {  	_ =	strace s17  }
0x93: {  	s2 =	sld [smem:$0x3FFC];
	_ =	sdelay $0x3  }
0x94: {  	_ =	strace s2  }
0x95: {  	s2 =	sld [smem:$0x3FFD];
	_ =	sdelay $0x3  }
0x96: {  	_ =	strace s2  }
0x97: {  	_ =	strace $0x8FFFFFFF  }
0x98: {  	s18 =	sld [smem:$0x3FDB];
	_ =	sdelay $0x1  }
0x99: {  	s19 =	simm.s32 $_scs_section_size  }
0x9a: {  	s4 =	simm.s32 $_size__tile_overlayer_lowered;
	s5 =	simm.s32 $_tile_overlayer_lowered  }
0x9b: {  	s22 =	simm.s32 $0x1BFF;
	s21 =	sshll.u32 s5, $0x1;
	s2 =	sadd.s32 s19, s18  }
0x9c: {  	s6 =	simm.s32 $0x0;
	s20 =	sshll.u32 s4, $0x1;
	s4 =	sadd.s32 s21, s2  }
0x9d: {  	[timem:s6], [sflag:s22] =	dma.local [hbm:s4], s20  }
0x9e: {  	_ =	swait.ge [sflag:s22], s20  }
0x9f: {  	s3 =	ssub.s32 $0x0, s20;
	[sflag:s22] =	ssyncset.done $0x0  }
0xa0: {  	[sflag:s22] =	ssyncadd.s32 s3;
	_ =	sdelay $0x1  }
0xa1: {  	s23 =	simm.s32 $0x1B8B  }
0xa2: {  	_ =	swait.ge [sflag:s23], $0x1  }
0xa3: {  	[sflag:s23] =	ssyncset.done $0x0  }
0xa4: {  	s25 =	simm.s32 $0x1B8E;
	s24 =	sld [smem:$0x3FFE];
	[sflag:s23] =	ssyncadd.s32 $0xFFFFFFFF  }
0xa5: {  	s26 =	simm.s32 $execute0_lowered;
	[smem:$0x3FD2] =	sst s25  }
0xa6: {  	s4 =	sshll.u32 s26, $0x1;
	_ =	strace $0x80000046;
	[dreg:$0x1] =	wrdreg $0xFFFFFFFF  }
0xa7: {  	s28 =	simm.s32 $_size_execute0_lowered;
	s2 =	sadd.s32 s2, s4;
	[dreg:$0x0] =	wrdreg $0x0  }
0xa8: {  	s4 =	sshll.u32 s28, $0x1;
	[dreg:$0x2] =	wrdreg s2  }
0xa9: {  	[dreg:$0x3] =	wrdreg s4  }
0xaa: {  	[dreg:$0x4] =	wrdreg $0xC0  }
0xab: {  	_ =	task [dreg:s6], $0x5FFFF  }
0xac: {  	[dreg:$0x1] =	wrdreg $0xFFFFFFFF  }
0xad: {  	[dreg:$0x0] =	wrdreg $0x60  }
0xae: {  	[dreg:$0x2] =	wrdreg s24  }
0xaf: {  	[dreg:$0x3] =	wrdreg $0x14800  }
0xb0: {  	[dreg:$0x4] =	wrdreg $0x9  }
0xb1: {  	_ =	task.clear_ibuf [dreg:s6], $0x5FFFF;
	_ =	strace $0x90000046  }
0xb2: {  	s29 =	simm.s32 $0x9;
	_ =	strace $0x80000048  }
0xb3: {  	_ =	swait.ge [sflag:s29], $0x1  }
0xb4: {  	[sflag:s29] =	ssyncadd.s32 $0xFFFFFFFF  }
0xb5: {  	_ =	strace $0x90000048  }
0xb6: {  	_ =	sfence  }
0xb7: {  	s30 =	sld [smem:$0x0];
	_ =	sdelay $0x2  }
0xb8: {  	s31 =	sshll.u32 s1, $0xD;
	s1 =	sshrl.u32 s1, $0x2  }
0xb9: {  	s3 =	sand.u32 $0x4000, s31;
	s1 =	sadd.s32 s1, s30  }
0xba: {  	s0 =	sor.u32 s3, s0;
	s1 =	sshll.u32 s1, $0x11  }
0xbb: {  	s0 =	sor.u32 s1, s0  }
0xbc: {  	s0 =	sadd.s32 $0x8F2B, s0  }
0xbd: {  	[sflag:s0] =	ssyncadd.remote.s32 $0x1  }
0xbe: {  	_ =	sfence.sel $0xFFFF  }
0xbf: {  	[dreg:$0x0] =	wrdreg $0xFFFFFFFF;
	(pc) =	sbr.abs _section_cstart, $3  }
0xc0: {  	[dreg:$0x1] =	wrdreg $0xFFFFFFFF  }
0xc1: {  	_ =	task.clear_ibuf [dreg:s6], $0x2FFFF;
	_ =	strace $0x9FFFFFFF  }
0xc2: {  	(tm) =	ssettm $0x7FFFFFFF  }
0xc3: {  	_ =	shalt  }
tec
execute0_lowered:
.L_overlay_start_1:
0x0: {  	(tag) =	ssettag $0x1  }
0x1: {  	s0 =	srdreg.scid;
	s6 =	rddreg [dreg:$0x0]  }
0x2: {  	s9 =	stileid.u32;
	s2 =	rddreg [dreg:$0x1];
	s3 =	simm.s32 $0x0  }
0x3: {  	s10 =	simm.s32 $0x1400;
	s12 =	simm.s32 $0x80;
	s16 =	simm.s32 $0xC00  }
0x4: {  	s17 =	simm.s32 $0xC80;
	s18 =	simm.s32 $0xD00;
	s19 =	simm.s32 $0xD80  }
0x5: {  	s20 =	simm.s32 $0xE00;
	s21 =	simm.s32 $0xE80;
	s22 =	simm.s32 $0xF00  }
0x6: {  	s23 =	simm.s32 $0xF80;
	s24 =	simm.s32 $0x1000;
	s28 =	simm.s32 $0x1100  }
0x7: {  	s29 =	simm.s32 $0x1180;
	s30 =	simm.s32 $0x1200;
	s31 =	simm.s32 $0x1280  }
0x8: {  	s13 =	simm.s32 $0x1;
	s14 =	simm.s32 $0x0;
	s0 =	sand.u32 $0x1, s0  }
0x9: {  	s8 =	smul.u32 $0x280, s9;
	[smem:$0x7FF] =	sst s3;
	p0 =	sne.s32 s9, $0x0  }
0xa: {  	s1 =	sshll.u32 s0, $0x4;
	s4 =	smul.u32 $0x2800, s0;
	_ =	strace $0x80000047  }
0xb: {  	s0 =	ssub.s32 $0x2, s0;
	s11 =	sshrl.u32 @!p0 s2, $0x3;
	s1 =	sor.u32 s9, s1  }
0xc: {  	s25 =	sshrl.u32 s0, $0x1;
	s26 =	sadd.s32 s8, s2;
	s9 =	simm.s32 $0x2  }
0xd: {  	s1 =	smul.u32 $0x280, s1;
	s5 =	sadd.s32 s8, s4;
	s4 =	sadd.s32 $0x7200, s6  }
0xe: {  	s0 =	ssub.s32 s0, s25;
	s25 =	sshrl.u32 s26, $0x3;
	s26 =	simm.s32 $0x1080  }
0xf: {  	s7 =	sshrl.u32 s5, $0x3;
	s5 =	sadd.s32 $0x7000, s6;
	s8 =	smax.u32 s0, $0x1  }
0x10: {  	s0 =	simm.s32 $0x1380;
	s1 =	sadd.s32 s1, s6;
	s7 =	sadd.s32 s7, s6  }
0x11: {  	s6 =	sadd.s32 $0x2000, s1;
	s7 =	sadd.s32 $0x7800, s7;
	s1 =	simm.s32 $0x1300  }
.LBB2_1:
0x12: {  	[tilespmem:s3], [sflag:$0x2] =	stream.linear.gather [hbm4b:s6+s3], $0x1400, $0x38;
	[tilespmem:$0x1700] =	vst v63  }
0x13: {  	_ =	swait.ge [sflag:s9], $0x1400  }
0x14: {  	[sflag:s9] =	ssyncset.done $0x0  }
0x15: {  	[sflag:s9] =	ssyncadd.s32 $0xFFFFEC00  }
0x16: {  	[tilespmem:s10], [sflag:$0x2] =	stream.linear.gather [hbm4b:s5+s3], $0x80, $0x38;
	[tilespmem:$0x1700] =	vst v63  }
0x17: {  	_ =	swait.ge [sflag:s9], $0x80  }
0x18: {  	[sflag:s9] =	ssyncset.done $0x0  }
0x19: {  	s15 =	simm.s32 @!p0 $0x1C02;
	[sflag:s9] =	ssyncadd.s32 $0xFFFFFF80  }
0x1a: {  	[spmem:s11], [sflag:s15] =	dma.local @!p0 [hbm:s4], $0x500  }
0x1b: {  	s15 =	simm.s32 @!p0 $0x2  }
0x1c: {  	_ =	swait.ge @!p0 [sflag:s15], $0x500  }
0x1d: {  	[sflag:s15] =	ssyncset.done @!p0 $0x0  }
0x1e: {  	[sflag:s15] =	ssyncadd.s32 @!p0 $0xFFFFFB00  }
0x1f: {  	[bflag:$0x0] =	sbarrier.arrive $0xFFFF  }
0x20: {  	[spmem:s2] =	stream.indirect.scatter.add.f32 [tilespmem:s10], [sflag:$0x1], $0x1, s3, s12, $0xb8;
	[tilespmem:$0x1700] =	vst v63  }
0x21: {  	_ = 	snop  }
0x22: {  	[spmem:s2] =	stream.indirect.scatter.add.f32 [tilespmem:s10], [sflag:$0x1], $0x1, s12, s12, $0xb8;
	[tilespmem:$0x1700] =	vst v63  }
0x23: {  	s15 =	simm.s32 $0x100  }
0x24: {  	[spmem:s2] =	stream.indirect.scatter.add.f32 [tilespmem:s10], [sflag:$0x1], $0x1, s15, s12, $0xb8;
	[tilespmem:$0x1700] =	vst v63  }
0x25: {  	s15 =	simm.s32 $0x180  }
0x26: {  	[spmem:s2] =	stream.indirect.scatter.add.f32 [tilespmem:s10], [sflag:$0x1], $0x1, s15, s12, $0xb8;
	[tilespmem:$0x1700] =	vst v63  }
0x27: {  	s15 =	simm.s32 $0x200  }
0x28: {  	[spmem:s2] =	stream.indirect.scatter.add.f32 [tilespmem:s10], [sflag:$0x1], $0x1, s15, s12, $0xb8;
	[tilespmem:$0x1700] =	vst v63  }
0x29: {  	s15 =	simm.s32 $0x280  }
0x2a: {  	[spmem:s2] =	stream.indirect.scatter.add.f32 [tilespmem:s10], [sflag:$0x1], $0x1, s15, s12, $0xb8;
	[tilespmem:$0x1700] =	vst v63  }
0x2b: {  	s15 =	simm.s32 $0x300  }
0x2c: {  	[spmem:s2] =	stream.indirect.scatter.add.f32 [tilespmem:s10], [sflag:$0x1], $0x1, s15, s12, $0xb8;
	[tilespmem:$0x1700] =	vst v63  }
0x2d: {  	s15 =	simm.s32 $0x380  }
0x2e: {  	[spmem:s2] =	stream.indirect.scatter.add.f32 [tilespmem:s10], [sflag:$0x1], $0x1, s15, s12, $0xb8;
	[tilespmem:$0x1700] =	vst v63  }
0x2f: {  	s15 =	simm.s32 $0x400  }
0x30: {  	[spmem:s2] =	stream.indirect.scatter.add.f32 [tilespmem:s10], [sflag:$0x1], $0x1, s15, s12, $0xb8;
	[tilespmem:$0x1700] =	vst v63  }
0x31: {  	s15 =	simm.s32 $0x480  }
0x32: {  	[spmem:s2] =	stream.indirect.scatter.add.f32 [tilespmem:s10], [sflag:$0x1], $0x1, s15, s12, $0xb8;
	[tilespmem:$0x1700] =	vst v63  }
0x33: {  	s15 =	simm.s32 $0x500  }
0x34: {  	[spmem:s2] =	stream.indirect.scatter.add.f32 [tilespmem:s10], [sflag:$0x1], $0x1, s15, s12, $0xb8;
	[tilespmem:$0x1700] =	vst v63  }
0x35: {  	s15 =	simm.s32 $0x580  }
0x36: {  	[spmem:s2] =	stream.indirect.scatter.add.f32 [tilespmem:s10], [sflag:$0x1], $0x1, s15, s12, $0xb8;
	[tilespmem:$0x1700] =	vst v63  }
0x37: {  	s15 =	simm.s32 $0x600  }
0x38: {  	[spmem:s2] =	stream.indirect.scatter.add.f32 [tilespmem:s10], [sflag:$0x1], $0x1, s15, s12, $0xb8;
	[tilespmem:$0x1700] =	vst v63  }
0x39: {  	s15 =	simm.s32 $0x680  }
0x3a: {  	[spmem:s2] =	stream.indirect.scatter.add.f32 [tilespmem:s10], [sflag:$0x1], $0x1, s15, s12, $0xb8;
	[tilespmem:$0x1700] =	vst v63  }
0x3b: {  	s15 =	simm.s32 $0x700  }
0x3c: {  	[spmem:s2] =	stream.indirect.scatter.add.f32 [tilespmem:s10], [sflag:$0x1], $0x1, s15, s12, $0xb8;
	[tilespmem:$0x1700] =	vst v63  }
0x3d: {  	s15 =	simm.s32 $0x780  }
0x3e: {  	[spmem:s2] =	stream.indirect.scatter.add.f32 [tilespmem:s10], [sflag:$0x1], $0x1, s15, s12, $0xb8;
	[tilespmem:$0x1700] =	vst v63  }
0x3f: {  	s15 =	simm.s32 $0x800  }
0x40: {  	[spmem:s2] =	stream.indirect.scatter.add.f32 [tilespmem:s10], [sflag:$0x1], $0x1, s15, s12, $0xb8;
	[tilespmem:$0x1700] =	vst v63  }
0x41: {  	s15 =	simm.s32 $0x880  }
0x42: {  	[spmem:s2] =	stream.indirect.scatter.add.f32 [tilespmem:s10], [sflag:$0x1], $0x1, s15, s12, $0xb8;
	[tilespmem:$0x1700] =	vst v63  }
0x43: {  	s15 =	simm.s32 $0x900  }
0x44: {  	[spmem:s2] =	stream.indirect.scatter.add.f32 [tilespmem:s10], [sflag:$0x1], $0x1, s15, s12, $0xb8;
	[tilespmem:$0x1700] =	vst v63  }
0x45: {  	s15 =	simm.s32 $0x980  }
0x46: {  	[spmem:s2] =	stream.indirect.scatter.add.f32 [tilespmem:s10], [sflag:$0x1], $0x1, s15, s12, $0xb8;
	[tilespmem:$0x1700] =	vst v63  }
0x47: {  	s15 =	simm.s32 $0xA00  }
0x48: {  	[spmem:s2] =	stream.indirect.scatter.add.f32 [tilespmem:s10], [sflag:$0x1], $0x1, s15, s12, $0xb8;
	[tilespmem:$0x1700] =	vst v63  }
0x49: {  	s15 =	simm.s32 $0xA80  }
0x4a: {  	[spmem:s2] =	stream.indirect.scatter.add.f32 [tilespmem:s10], [sflag:$0x1], $0x1, s15, s12, $0xb8;
	[tilespmem:$0x1700] =	vst v63  }
0x4b: {  	s15 =	simm.s32 $0xB00  }
0x4c: {  	[spmem:s2] =	stream.indirect.scatter.add.f32 [tilespmem:s10], [sflag:$0x1], $0x1, s15, s12, $0xb8;
	[tilespmem:$0x1700] =	vst v63  }
0x4d: {  	s15 =	simm.s32 $0xB80  }
0x4e: {  	[spmem:s2] =	stream.indirect.scatter.add.f32 [tilespmem:s10], [sflag:$0x1], $0x1, s15, s12, $0xb8;
	[tilespmem:$0x1700] =	vst v63  }
0x4f: {  	_ = 	snop  }
0x50: {  	[spmem:s2] =	stream.indirect.scatter.add.f32 [tilespmem:s10], [sflag:$0x1], $0x1, s16, s12, $0xb8;
	[tilespmem:$0x1700] =	vst v63  }
0x51: {  	_ = 	snop  }
0x52: {  	[spmem:s2] =	stream.indirect.scatter.add.f32 [tilespmem:s10], [sflag:$0x1], $0x1, s17, s12, $0xb8;
	[tilespmem:$0x1700] =	vst v63  }
0x53: {  	_ = 	snop  }
0x54: {  	[spmem:s2] =	stream.indirect.scatter.add.f32 [tilespmem:s10], [sflag:$0x1], $0x1, s18, s12, $0xb8;
	[tilespmem:$0x1700] =	vst v63  }
0x55: {  	_ = 	snop  }
0x56: {  	[spmem:s2] =	stream.indirect.scatter.add.f32 [tilespmem:s10], [sflag:$0x1], $0x1, s19, s12, $0xb8;
	[tilespmem:$0x1700] =	vst v63  }
0x57: {  	_ = 	snop  }
0x58: {  	[spmem:s2] =	stream.indirect.scatter.add.f32 [tilespmem:s10], [sflag:$0x1], $0x1, s20, s12, $0xb8;
	[tilespmem:$0x1700] =	vst v63  }
0x59: {  	_ = 	snop  }
0x5a: {  	[spmem:s2] =	stream.indirect.scatter.add.f32 [tilespmem:s10], [sflag:$0x1], $0x1, s21, s12, $0xb8;
	[tilespmem:$0x1700] =	vst v63  }
0x5b: {  	_ = 	snop  }
0x5c: {  	[spmem:s2] =	stream.indirect.scatter.add.f32 [tilespmem:s10], [sflag:$0x1], $0x1, s22, s12, $0xb8;
	[tilespmem:$0x1700] =	vst v63  }
0x5d: {  	_ = 	snop  }
0x5e: {  	[spmem:s2] =	stream.indirect.scatter.add.f32 [tilespmem:s10], [sflag:$0x1], $0x1, s23, s12, $0xb8;
	[tilespmem:$0x1700] =	vst v63  }
0x5f: {  	_ = 	snop  }
0x60: {  	[spmem:s2] =	stream.indirect.scatter.add.f32 [tilespmem:s10], [sflag:$0x1], $0x1, s24, s12, $0xb8;
	[tilespmem:$0x1700] =	vst v63  }
0x61: {  	_ = 	snop  }
0x62: {  	[spmem:s2] =	stream.indirect.scatter.add.f32 [tilespmem:s10], [sflag:$0x1], $0x1, s26, s12, $0xb8;
	[tilespmem:$0x1700] =	vst v63  }
0x63: {  	_ = 	snop  }
0x64: {  	[spmem:s2] =	stream.indirect.scatter.add.f32 [tilespmem:s10], [sflag:$0x1], $0x1, s28, s12, $0xb8;
	[tilespmem:$0x1700] =	vst v63  }
0x65: {  	_ = 	snop  }
0x66: {  	[spmem:s2] =	stream.indirect.scatter.add.f32 [tilespmem:s10], [sflag:$0x1], $0x1, s29, s12, $0xb8;
	[tilespmem:$0x1700] =	vst v63  }
0x67: {  	_ = 	snop  }
0x68: {  	[spmem:s2] =	stream.indirect.scatter.add.f32 [tilespmem:s10], [sflag:$0x1], $0x1, s30, s12, $0xb8;
	[tilespmem:$0x1700] =	vst v63  }
0x69: {  	_ = 	snop  }
0x6a: {  	[spmem:s2] =	stream.indirect.scatter.add.f32 [tilespmem:s10], [sflag:$0x1], $0x1, s31, s12, $0xb8;
	[tilespmem:$0x1700] =	vst v63  }
0x6b: {  	_ = 	snop  }
0x6c: {  	[spmem:s2] =	stream.indirect.scatter.add.f32 [tilespmem:s10], [sflag:$0x1], $0x1, s1, s12, $0xb8;
	[tilespmem:$0x1700] =	vst v63  }
0x6d: {  	_ = 	snop  }
0x6e: {  	[spmem:s2] =	stream.indirect.scatter.add.f32 [tilespmem:s10], [sflag:$0x1], $0x1, s0, s12, $0xb8;
	[tilespmem:$0x1700] =	vst v63  }
0x6f: {  	_ =	swait.ge [sflag:s13], $0x80  }
0x70: {  	s15 =	simm.s32 $0x27;
	[sflag:s13] =	ssyncset.done $0x0  }
.LBB2_2:
0x71: {  	p1 =	sne.s32 s15, $0x1;
	s15 =	sadd.s32 $0xFFFFFFFF, s15;
	[sflag:s13] =	ssyncadd.s32 $0xFFFFFF80  }
.Ltmp0:
0x72: {  	(pc) =	sbr.rel @p1 .LBB2_2-.Ltmp0, $3  }
0x73: {  	_ =	sdelay $0x1  }
0x74: {  	_ =	swait.ge [sflag:s13], $0x80  }
0x75: {  	[sflag:s13] =	ssyncset.done $0x0  }
0x76: {  	s15 =	stileid.u32;
	s14 =	sadd.s32 $0x1, s14  }
0x77: {  	[sflag:s13] =	ssyncadd.s32 $0xFFFFFF80;
	s15 =	sshll.u32 s15, $0x6;
	p1 =	sne.s32 s14, s8  }
.Ltmp1:
0x78: {  	[bflag:$0x0] =	sbarrier.arrive $0xFFFF;
	s15 =	sor.u32 $0x1C02, s15;
	(pc) =	sbr.rel @p1 .LBB2_1-.Ltmp1, $4  }
0x79: {  	[hbm:s7], [sflag:s15] =	dma.local [spmem:s25], $0x50  }
0x7a: {  	_ =	swait.ge [sflag:s9], $0x50  }
0x7b: {  	[sflag:s9] =	ssyncset.done $0x0  }
0x7c: {  	[sflag:s9] =	ssyncadd.s32 $0xFFFFFFB0  }
0x7d: {  	_ =	sfence.sel $0x180000  }
0x7e: {  	[bflag:$0x0] =	sbarrier.arrive $0xFFFF  }
0x7f: {  	_ =	strace $0x90000047  }
0x80: {  	[bflag:$0x2] =	sbarrier.arrive $0xFFFF  }
0x81: {  	s0 =	rddreg [dreg:$0x2]  }
0x82: {  	s0 =	sadd.s32 @!p0 $0x100000, s0  }
0x83: {  	[sflag:s0] =	ssyncadd.tile.s32 @!p0 $0x1;
	_ =	shalt  }
.Lfunc_end2:
_tile_overlayer_lowered:
.L_overlay_start_2:
0x84: {  	(tag) =	ssettag $0x2  }
0x85: {  	s0 =	rddreg [dreg:$0x0];
	s2 =	stileid.u32  }
0x86: {  	s1 =	rddreg [dreg:$0x1];
	p0 =	sne.s32 s2, $0x0  }
0x87: {  	s3 =	rddreg [dreg:$0x2];
	[bflag:$0x3] =	sbarrier.arrive $0xFFFF;
	s2 =	simm.s32 @!p0 $0x1C02  }
0x88: {  	[timem:s3], [sflag:s2] =	dma.local @!p0 [hbm:s0], s1  }
0x89: {  	s0 =	simm.s32 @!p0 $0x2  }
0x8a: {  	_ =	swait.ge @!p0 [sflag:s0], s1  }
0x8b: {  	s1 =	ssub.s32 @!p0 $0x0, s1;
	[sflag:s0] =	ssyncset.done @!p0 $0x0  }
0x8c: {  	[sflag:s0] =	ssyncadd.s32 @!p0 s1  }
0x8d: {  	[bflag:$0x3] =	sbarrier.arrive $0xFFFF  }
0x8e: {  	_ =	shalt  }

</sc_bundles>
